<compile_context>
chip_gen: v7x
topology: tpu7x:2x2x1
jax: 0.10.2.dev20260603
libtpu: 0.0.44.dev20260713+nightly
codegen_flags: <defaults>
</compile_context>

<pallas_src>
import functools

import jax
import jax.numpy as jnp
from jax import lax
from jax.experimental import pallas as pl
from jax.experimental.pallas import tpu as pltpu
from jax.experimental.pallas import tpu_sc as plsc

D_MODEL = 64
DP = 128
NUM_CORES = 2
NUM_SUBCORES = 16
NW = NUM_CORES * NUM_SUBCORES
CHUNK = 128
NB = 5


@functools.cache
def _make_kernel(total: int):
    per_w = total // NW
    n_chunks = per_w // CHUNK
    mesh = plsc.VectorSubcoreMesh(core_axis_name="c", subcore_axis_name="s")

    @functools.partial(
        pl.kernel,
        mesh=mesh,
        out_type=jax.ShapeDtypeStruct((total, DP), jnp.float32),
        scratch_types=[
            pltpu.VMEM((per_w,), jnp.int32),
            pltpu.VMEM((NB, CHUNK, DP), jnp.float32),
            pltpu.SemaphoreType.DMA((NB,)),
            pltpu.SemaphoreType.DMA((NB,)),
        ],
    )
    def emb_kernel(idx_hbm, table_hbm, out_hbm, idx_v, rows, gsem, wsem):
        wid = lax.axis_index("s") * NUM_CORES + lax.axis_index("c")
        base = wid * per_w
        pltpu.sync_copy(idx_hbm.at[pl.ds(base, per_w)], idx_v)

        def gather(j, b):
            return pltpu.make_async_copy(
                table_hbm.at[idx_v.at[pl.ds(j * CHUNK, CHUNK)]],
                rows.at[b], gsem.at[b])

        def write(j, b):
            return pltpu.make_async_copy(
                rows.at[b],
                out_hbm.at[pl.ds(base + j * CHUNK, CHUNK)],
                wsem.at[b])

        LG = 3
        WD = NB - LG

        for j in range(LG):
            gather(j, j).start()

        def outer(j0, _):
            for k in range(NB):
                j = j0 * NB + k
                gather(j, k).wait()
                write(j, k).start()

                @pl.when(j >= WD)
                def _():
                    write(j - WD, (k - WD) % NB).wait()

                @pl.when(j + LG < n_chunks)
                def _():
                    gather(j + LG, (k + LG) % NB).start()
            return ()

        lax.fori_loop(0, n_chunks // NB, outer, (), unroll=False)

        for j in range(n_chunks - WD, n_chunks):
            write(j, j % NB).wait()

    return emb_kernel


def kernel(inputs, table):
    batch, hist = inputs.shape
    total = batch * hist
    assert total % (NW * CHUNK) == 0
    idx = inputs.astype(jnp.int32).reshape(total)
    table_p = jnp.pad(table, ((0, 0), (0, DP - table.shape[1])))
    out = _make_kernel(total)(idx, table_p)
    return out[:, :D_MODEL].reshape(batch, hist, table.shape[1])

# --- scband reference (transcript-rebuilt; emitter-appended) ---
"""Pipeline reference for scband-text-embeddings-26972394619311 (READ-ONLY COPY).

The authoritative reference and input builder live on the scoring server;
editing this copy changes nothing except your own understanding.
"""

import jax, jax.numpy as jnp
import numpy as np

VOCAB = 1000000
D_MODEL = 64
BATCH = 4096
HIST = 200

def setup_inputs(seed: int = 0) -> dict:
    key = jax.random.key(seed)
    k_idx, k_tab = jax.random.split(key)
    inputs = jax.random.randint(k_idx, (BATCH, HIST), 0, VOCAB, dtype=jnp.int64)
    # glorot_uniform for embedding table: limit = sqrt(6/(fan_in+fan_out))
    limit = float(np.sqrt(6.0 / (VOCAB + D_MODEL)))
    table = jax.random.uniform(k_tab, (VOCAB, D_MODEL), minval=-limit, maxval=limit, dtype=jnp.float32)
    return {"inputs": inputs, "table": table}

def reference(inputs, table):
    # Embedding lookup: table[inputs] -> [B, L, d_model]
    return jnp.take(table, inputs, axis=0)

if __name__ == "__main__":
    import jax
    _d = setup_inputs()
    print(jax.jit(kernel)(*tuple(_d.values())))

</pallas_src>

<mosaic_0001>
#map = affine_map<(d0, d1) -> (0)>
#map1 = affine_map<(d0, d1) -> (0, 0)>
module attributes {stable_mosaic.version = 14 : i64} {
  func.func @emb_kernel(%arg0: i32, %arg1: i32, %arg2: memref<819200xi32, #tpu.memory_space<hbm>>, %arg3: memref<1000000x128xf32, #tpu.memory_space<hbm>>, %arg4: memref<819200x128xf32, #tpu.memory_space<hbm>>, %arg5: memref<25600xi32, #tpu.memory_space<vmem>>, %arg6: memref<5x128x128xf32, #tpu.memory_space<vmem>>, %arg7: memref<5x!tpu.dma_semaphore, #tpu.memory_space<semaphore_mem>>, %arg8: memref<5x!tpu.dma_semaphore, #tpu.memory_space<semaphore_mem>>) attributes {dimension_semantics = [#tpu.dimension_semantics<core_parallel>, #tpu.dimension_semantics<subcore_parallel>], iteration_bounds = array<i64: 2, 16>, scalar_prefetch = 0 : i64, scratch_operands = 4 : i64, tpu.core_type = #tpu.core_type<sc_vector_subcore>, window_params = [{transform_indices = #map}, {transform_indices = #map1}, {transform_indices = #map1}]} {
    %mul3A = arith.constant 2 : i32
    %mul3A_0 = arith.muli %arg1, %mul3A : i32
    %add3A = arith.addi %mul3A_0, %arg0 : i32
    %mul3A_1 = arith.constant 25600 : i32
    %mul3A_2 = arith.muli %add3A, %mul3A_1 : i32
    "tpu.region"() ({
      %run_scoped3A = tpu.sem_alloc : memref<!tpu.dma_semaphore, #tpu.memory_space<semaphore_mem>>
      %dma_start3A_80 = tpu.memref_slice %arg2[%mul3A_2] : memref<819200xi32, #tpu.memory_space<hbm>> -> memref<25600xi32, #tpu.memory_space<hbm>>
      %dma_start3A_81 = tpu.memref_slice %arg2[%mul3A_2] : memref<819200xi32, #tpu.memory_space<hbm>> -> memref<25600xi32, #tpu.memory_space<hbm>>
      tpu.enqueue_dma source(%dma_start3A_81 : memref<25600xi32, #tpu.memory_space<hbm>>) target(%arg5 : memref<25600xi32, #tpu.memory_space<vmem>>) target_semaphore(%run_scoped3A : memref<!tpu.dma_semaphore, #tpu.memory_space<semaphore_mem>>)
      %dma_wait3A_82 = tpu.memref_slice %arg2[%mul3A_2] : memref<819200xi32, #tpu.memory_space<hbm>> -> memref<25600xi32, #tpu.memory_space<hbm>>
      %dma_wait3A_83 = tpu.memref_slice %arg2[%mul3A_2] : memref<819200xi32, #tpu.memory_space<hbm>> -> memref<25600xi32, #tpu.memory_space<hbm>>
      tpu.wait_dma2 semaphore(%run_scoped3A : memref<!tpu.dma_semaphore, #tpu.memory_space<semaphore_mem>>) src(%dma_wait3A_83 : memref<25600xi32, #tpu.memory_space<hbm>>) dst(%arg5 : memref<25600xi32, #tpu.memory_space<vmem>>)
      tpu.yield
    }) : () -> ()
    %dma_start3A = arith.constant 0 : i32
    %dma_start3A_3 = arith.constant 0 : i32
    %dma_start3A_4 = arith.constant 0 : i32
    %dma_start3A_5 = arith.constant 0 : i32
    %dma_start3A_6 = tpu.memref_slice %arg6[%dma_start3A, %dma_start3A_4, %dma_start3A_5] : memref<5x128x128xf32, #tpu.memory_space<vmem>> -> memref<1x128x128xf32, #tpu.memory_space<vmem>>
    %dma_start3A_7 = tpu.memref_squeeze %dma_start3A_6 : memref<1x128x128xf32, #tpu.memory_space<vmem>> -> memref<128x128xf32, #tpu.memory_space<vmem>>
    %dma_start3A_8 = arith.constant 0 : i32
    %dma_start3A_9 = tpu.memref_slice %arg5[%dma_start3A_8] : memref<25600xi32, #tpu.memory_space<vmem>> -> memref<128xi32, #tpu.memory_space<vmem>>
    %dma_start3A_10 = arith.constant 0 : i32
    %dma_start3A_11 = arith.constant 0 : i32
    %dma_start3A_12 = tpu.memref_slice %arg3[%dma_start3A_10, %dma_start3A_11] : memref<1000000x128xf32, #tpu.memory_space<hbm>> -> memref<1000000x128xf32, #tpu.memory_space<hbm>>
    %dma_start3A_13 = tpu.memref_slice %arg7[%dma_start3A_3] : memref<5x!tpu.dma_semaphore, #tpu.memory_space<semaphore_mem>> -> memref<1x!tpu.dma_semaphore, #tpu.memory_space<semaphore_mem>>
    %dma_start3A_14 = tpu.memref_squeeze %dma_start3A_13 : memref<1x!tpu.dma_semaphore, #tpu.memory_space<semaphore_mem>> -> memref<!tpu.dma_semaphore, #tpu.memory_space<semaphore_mem>>
    tpu.enqueue_indirect_dma source(%dma_start3A_12 : memref<1000000x128xf32, #tpu.memory_space<hbm>>) target(%dma_start3A_7 : memref<128x128xf32, #tpu.memory_space<vmem>>) offsets(%dma_start3A_9 : memref<128xi32, #tpu.memory_space<vmem>>) semaphore(%dma_start3A_14 : memref<!tpu.dma_semaphore, #tpu.memory_space<semaphore_mem>>)
    %dma_start3A_15 = arith.constant 1 : i32
    %dma_start3A_16 = arith.constant 1 : i32
    %dma_start3A_17 = arith.constant 0 : i32
    %dma_start3A_18 = arith.constant 0 : i32
    %dma_start3A_19 = tpu.memref_slice %arg6[%dma_start3A_15, %dma_start3A_17, %dma_start3A_18] : memref<5x128x128xf32, #tpu.memory_space<vmem>> -> memref<1x128x128xf32, #tpu.memory_space<vmem>>
    %dma_start3A_20 = tpu.memref_squeeze %dma_start3A_19 : memref<1x128x128xf32, #tpu.memory_space<vmem>> -> memref<128x128xf32, #tpu.memory_space<vmem>>
    %dma_start3A_21 = arith.constant 128 : i32
    %dma_start3A_22 = tpu.memref_slice %arg5[%dma_start3A_21] : memref<25600xi32, #tpu.memory_space<vmem>> -> memref<128xi32, #tpu.memory_space<vmem>>
    %dma_start3A_23 = arith.constant 0 : i32
    %dma_start3A_24 = arith.constant 0 : i32
    %dma_start3A_25 = tpu.memref_slice %arg3[%dma_start3A_23, %dma_start3A_24] : memref<1000000x128xf32, #tpu.memory_space<hbm>> -> memref<1000000x128xf32, #tpu.memory_space<hbm>>
    %dma_start3A_26 = tpu.memref_slice %arg7[%dma_start3A_16] : memref<5x!tpu.dma_semaphore, #tpu.memory_space<semaphore_mem>> -> memref<1x!tpu.dma_semaphore, #tpu.memory_space<semaphore_mem>>
    %dma_start3A_27 = tpu.memref_squeeze %dma_start3A_26 : memref<1x!tpu.dma_semaphore, #tpu.memory_space<semaphore_mem>> -> memref<!tpu.dma_semaphore, #tpu.memory_space<semaphore_mem>>
    tpu.enqueue_indirect_dma source(%dma_start3A_25 : memref<1000000x128xf32, #tpu.memory_space<hbm>>) target(%dma_start3A_20 : memref<128x128xf32, #tpu.memory_space<vmem>>) offsets(%dma_start3A_22 : memref<128xi32, #tpu.memory_space<vmem>>) semaphore(%dma_start3A_27 : memref<!tpu.dma_semaphore, #tpu.memory_space<semaphore_mem>>)
    %dma_start3A_28 = arith.constant 2 : i32
    %dma_start3A_29 = arith.constant 2 : i32
    %dma_start3A_30 = arith.constant 0 : i32
    %dma_start3A_31 = arith.constant 0 : i32
    %dma_start3A_32 = tpu.memref_slice %arg6[%dma_start3A_28, %dma_start3A_30, %dma_start3A_31] : memref<5x128x128xf32, #tpu.memory_space<vmem>> -> memref<1x128x128xf32, #tpu.memory_space<vmem>>
    %dma_start3A_33 = tpu.memref_squeeze %dma_start3A_32 : memref<1x128x128xf32, #tpu.memory_space<vmem>> -> memref<128x128xf32, #tpu.memory_space<vmem>>
    %dma_start3A_34 = arith.constant 256 : i32
    %dma_start3A_35 = tpu.memref_slice %arg5[%dma_start3A_34] : memref<25600xi32, #tpu.memory_space<vmem>> -> memref<128xi32, #tpu.memory_space<vmem>>
    %dma_start3A_36 = arith.constant 0 : i32
    %dma_start3A_37 = arith.constant 0 : i32
    %dma_start3A_38 = tpu.memref_slice %arg3[%dma_start3A_36, %dma_start3A_37] : memref<1000000x128xf32, #tpu.memory_space<hbm>> -> memref<1000000x128xf32, #tpu.memory_space<hbm>>
    %dma_start3A_39 = tpu.memref_slice %arg7[%dma_start3A_29] : memref<5x!tpu.dma_semaphore, #tpu.memory_space<semaphore_mem>> -> memref<1x!tpu.dma_semaphore, #tpu.memory_space<semaphore_mem>>
    %dma_start3A_40 = tpu.memref_squeeze %dma_start3A_39 : memref<1x!tpu.dma_semaphore, #tpu.memory_space<semaphore_mem>> -> memref<!tpu.dma_semaphore, #tpu.memory_space<semaphore_mem>>
    tpu.enqueue_indirect_dma source(%dma_start3A_38 : memref<1000000x128xf32, #tpu.memory_space<hbm>>) target(%dma_start3A_33 : memref<128x128xf32, #tpu.memory_space<vmem>>) offsets(%dma_start3A_35 : memref<128xi32, #tpu.memory_space<vmem>>) semaphore(%dma_start3A_40 : memref<!tpu.dma_semaphore, #tpu.memory_space<semaphore_mem>>)
    %scan3A = arith.constant 0 : i32
    %scan3A_41 = arith.constant 40 : i32
    %scan3A_42 = arith.addi %scan3A, %scan3A_41 : i32
    %scan3A_43 = arith.constant 1 : i32
    scf.for %scan3A_80 = %scan3A to %scan3A_42 step %scan3A_43  : i32 {
      %mul3A_81 = arith.constant 5 : i32
      %mul3A_82 = arith.muli %scan3A_80, %mul3A_81 : i32
      %add3A_83 = arith.constant 0 : i32
      %add3A_84 = arith.addi %mul3A_82, %add3A_83 : i32
      %mul3A_85 = arith.constant 128 : i32
      %mul3A_86 = arith.muli %add3A_84, %mul3A_85 : i32
      %dma_wait3A_87 = arith.constant 0 : i32
      %dma_wait3A_88 = arith.constant 0 : i32
      %dma_wait3A_89 = arith.constant 0 : i32
      %dma_wait3A_90 = arith.constant 0 : i32
      %dma_wait3A_91 = tpu.memref_slice %arg6[%dma_wait3A_87, %dma_wait3A_89, %dma_wait3A_90] : memref<5x128x128xf32, #tpu.memory_space<vmem>> -> memref<1x128x128xf32, #tpu.memory_space<vmem>>
      %dma_wait3A_92 = tpu.memref_squeeze %dma_wait3A_91 : memref<1x128x128xf32, #tpu.memory_space<vmem>> -> memref<128x128xf32, #tpu.memory_space<vmem>>
      %dma_wait3A_93 = tpu.memref_slice %arg5[%mul3A_86] : memref<25600xi32, #tpu.memory_space<vmem>> -> memref<128xi32, #tpu.memory_space<vmem>>
      %dma_wait3A_94 = arith.constant 0 : i32
      %dma_wait3A_95 = arith.constant 0 : i32
      %dma_wait3A_96 = tpu.memref_slice %arg3[%dma_wait3A_94, %dma_wait3A_95] : memref<1000000x128xf32, #tpu.memory_space<hbm>> -> memref<1000000x128xf32, #tpu.memory_space<hbm>>
      %dma_wait3A_97 = tpu.memref_slice %arg7[%dma_wait3A_88] : memref<5x!tpu.dma_semaphore, #tpu.memory_space<semaphore_mem>> -> memref<1x!tpu.dma_semaphore, #tpu.memory_space<semaphore_mem>>
      %dma_wait3A_98 = tpu.memref_squeeze %dma_wait3A_97 : memref<1x!tpu.dma_semaphore, #tpu.memory_space<semaphore_mem>> -> memref<!tpu.dma_semaphore, #tpu.memory_space<semaphore_mem>>
      tpu.wait_indirect_dma semaphore(%dma_wait3A_98 : memref<!tpu.dma_semaphore, #tpu.memory_space<semaphore_mem>>) src(%dma_wait3A_96 : memref<1000000x128xf32, #tpu.memory_space<hbm>>) dst(%dma_wait3A_92 : memref<128x128xf32, #tpu.memory_space<vmem>>)
      %mul3A_99 = arith.constant 128 : i32
      %mul3A_100 = arith.muli %add3A_84, %mul3A_99 : i32
      %add3A_101 = arith.addi %mul3A_2, %mul3A_100 : i32
      %dma_start3A_102 = arith.constant 0 : i32
      %dma_start3A_103 = arith.constant 0 : i32
      %dma_start3A_104 = arith.constant 0 : i32
      %dma_start3A_105 = arith.constant 0 : i32
      %dma_start3A_106 = tpu.memref_slice %arg6[%dma_start3A_102, %dma_start3A_104, %dma_start3A_105] : memref<5x128x128xf32, #tpu.memory_space<vmem>> -> memref<1x128x128xf32, #tpu.memory_space<vmem>>
      %dma_start3A_107 = tpu.memref_squeeze %dma_start3A_106 : memref<1x128x128xf32, #tpu.memory_space<vmem>> -> memref<128x128xf32, #tpu.memory_space<vmem>>
      %dma_start3A_108 = arith.constant 0 : i32
      %dma_start3A_109 = tpu.memref_slice %arg4[%add3A_101, %dma_start3A_108] : memref<819200x128xf32, #tpu.memory_space<hbm>> -> memref<128x128xf32, #tpu.memory_space<hbm>>
      %dma_start3A_110 = tpu.memref_slice %arg8[%dma_start3A_103] : memref<5x!tpu.dma_semaphore, #tpu.memory_space<semaphore_mem>> -> memref<1x!tpu.dma_semaphore, #tpu.memory_space<semaphore_mem>>
      %dma_start3A_111 = tpu.memref_squeeze %dma_start3A_110 : memref<1x!tpu.dma_semaphore, #tpu.memory_space<semaphore_mem>> -> memref<!tpu.dma_semaphore, #tpu.memory_space<semaphore_mem>>
      %dma_start3A_112 = arith.constant 0 : i32
      %dma_start3A_113 = tpu.memref_slice %arg4[%add3A_101, %dma_start3A_112] : memref<819200x128xf32, #tpu.memory_space<hbm>> -> memref<128x128xf32, #tpu.memory_space<hbm>>
      %dma_start3A_114 = arith.constant 0 : i32
      %dma_start3A_115 = arith.constant 0 : i32
      %dma_start3A_116 = tpu.memref_slice %arg6[%dma_start3A_102, %dma_start3A_114, %dma_start3A_115] : memref<5x128x128xf32, #tpu.memory_space<vmem>> -> memref<1x128x128xf32, #tpu.memory_space<vmem>>
      %dma_start3A_117 = tpu.memref_squeeze %dma_start3A_116 : memref<1x128x128xf32, #tpu.memory_space<vmem>> -> memref<128x128xf32, #tpu.memory_space<vmem>>
      tpu.enqueue_dma source(%dma_start3A_117 : memref<128x128xf32, #tpu.memory_space<vmem>>) target(%dma_start3A_113 : memref<128x128xf32, #tpu.memory_space<hbm>>) target_semaphore(%dma_start3A_111 : memref<!tpu.dma_semaphore, #tpu.memory_space<semaphore_mem>>)
      %ge3A = arith.constant 2 : i32
      %ge3A_118 = arith.cmpi sge, %add3A_84, %ge3A : i32
      %convert_element_type3A = arith.extui %ge3A_118 : i1 to i32
      %cond3A = arith.constant 0 : i32
      %cond3A_119 = arith.cmpi ne, %convert_element_type3A, %cond3A : i32
      scf.if %cond3A_119 {
        %sub3A = arith.constant 2 : i32
        %sub3A_322 = arith.subi %add3A_84, %sub3A : i32
        %mul3A_323 = arith.constant 128 : i32
        %mul3A_324 = arith.muli %sub3A_322, %mul3A_323 : i32
        %add3A_325 = arith.addi %mul3A_2, %mul3A_324 : i32
        %dma_wait3A_326 = arith.constant 3 : i32
        %dma_wait3A_327 = arith.constant 3 : i32
        %dma_wait3A_328 = arith.constant 0 : i32
        %dma_wait3A_329 = arith.constant 0 : i32
        %dma_wait3A_330 = tpu.memref_slice %arg6[%dma_wait3A_326, %dma_wait3A_328, %dma_wait3A_329] : memref<5x128x128xf32, #tpu.memory_space<vmem>> -> memref<1x128x128xf32, #tpu.memory_space<vmem>>
        %dma_wait3A_331 = tpu.memref_squeeze %dma_wait3A_330 : memref<1x128x128xf32, #tpu.memory_space<vmem>> -> memref<128x128xf32, #tpu.memory_space<vmem>>
        %dma_wait3A_332 = arith.constant 0 : i32
        %dma_wait3A_333 = tpu.memref_slice %arg4[%add3A_325, %dma_wait3A_332] : memref<819200x128xf32, #tpu.memory_space<hbm>> -> memref<128x128xf32, #tpu.memory_space<hbm>>
        %dma_wait3A_334 = tpu.memref_slice %arg8[%dma_wait3A_327] : memref<5x!tpu.dma_semaphore, #tpu.memory_space<semaphore_mem>> -> memref<1x!tpu.dma_semaphore, #tpu.memory_space<semaphore_mem>>
        %dma_wait3A_335 = tpu.memref_squeeze %dma_wait3A_334 : memref<1x!tpu.dma_semaphore, #tpu.memory_space<semaphore_mem>> -> memref<!tpu.dma_semaphore, #tpu.memory_space<semaphore_mem>>
        %dma_wait3A_336 = arith.constant 0 : i32
        %dma_wait3A_337 = tpu.memref_slice %arg4[%add3A_325, %dma_wait3A_336] : memref<819200x128xf32, #tpu.memory_space<hbm>> -> memref<128x128xf32, #tpu.memory_space<hbm>>
        %dma_wait3A_338 = arith.constant 0 : i32
        %dma_wait3A_339 = arith.constant 0 : i32
        %dma_wait3A_340 = tpu.memref_slice %arg6[%dma_wait3A_326, %dma_wait3A_338, %dma_wait3A_339] : memref<5x128x128xf32, #tpu.memory_space<vmem>> -> memref<1x128x128xf32, #tpu.memory_space<vmem>>
        %dma_wait3A_341 = tpu.memref_squeeze %dma_wait3A_340 : memref<1x128x128xf32, #tpu.memory_space<vmem>> -> memref<128x128xf32, #tpu.memory_space<vmem>>
        tpu.wait_dma2 semaphore(%dma_wait3A_335 : memref<!tpu.dma_semaphore, #tpu.memory_space<semaphore_mem>>) src(%dma_wait3A_341 : memref<128x128xf32, #tpu.memory_space<vmem>>) dst(%dma_wait3A_337 : memref<128x128xf32, #tpu.memory_space<hbm>>)
      } else {
      }
      %add3A_120 = arith.constant 3 : i32
      %add3A_121 = arith.addi %add3A_84, %add3A_120 : i32
      %lt3A = arith.constant 200 : i32
      %lt3A_122 = arith.cmpi slt, %add3A_121, %lt3A : i32
      %convert_element_type3A_123 = arith.extui %lt3A_122 : i1 to i32
      %cond3A_124 = arith.constant 0 : i32
      %cond3A_125 = arith.cmpi ne, %convert_element_type3A_123, %cond3A_124 : i32
      scf.if %cond3A_125 {
        %add3A_322 = arith.constant 3 : i32
        %add3A_323 = arith.addi %add3A_84, %add3A_322 : i32
        %mul3A_324 = arith.constant 128 : i32
        %mul3A_325 = arith.muli %add3A_323, %mul3A_324 : i32
        %dma_start3A_326 = arith.constant 3 : i32
        %dma_start3A_327 = arith.constant 3 : i32
        %dma_start3A_328 = arith.constant 0 : i32
        %dma_start3A_329 = arith.constant 0 : i32
        %dma_start3A_330 = tpu.memref_slice %arg6[%dma_start3A_326, %dma_start3A_328, %dma_start3A_329] : memref<5x128x128xf32, #tpu.memory_space<vmem>> -> memref<1x128x128xf32, #tpu.memory_space<vmem>>
        %dma_start3A_331 = tpu.memref_squeeze %dma_start3A_330 : memref<1x128x128xf32, #tpu.memory_space<vmem>> -> memref<128x128xf32, #tpu.memory_space<vmem>>
        %dma_start3A_332 = tpu.memref_slice %arg5[%mul3A_325] : memref<25600xi32, #tpu.memory_space<vmem>> -> memref<128xi32, #tpu.memory_space<vmem>>
        %dma_start3A_333 = arith.constant 0 : i32
        %dma_start3A_334 = arith.constant 0 : i32
        %dma_start3A_335 = tpu.memref_slice %arg3[%dma_start3A_333, %dma_start3A_334] : memref<1000000x128xf32, #tpu.memory_space<hbm>> -> memref<1000000x128xf32, #tpu.memory_space<hbm>>
        %dma_start3A_336 = tpu.memref_slice %arg7[%dma_start3A_327] : memref<5x!tpu.dma_semaphore, #tpu.memory_space<semaphore_mem>> -> memref<1x!tpu.dma_semaphore, #tpu.memory_space<semaphore_mem>>
        %dma_start3A_337 = tpu.memref_squeeze %dma_start3A_336 : memref<1x!tpu.dma_semaphore, #tpu.memory_space<semaphore_mem>> -> memref<!tpu.dma_semaphore, #tpu.memory_space<semaphore_mem>>
        tpu.enqueue_indirect_dma source(%dma_start3A_335 : memref<1000000x128xf32, #tpu.memory_space<hbm>>) target(%dma_start3A_331 : memref<128x128xf32, #tpu.memory_space<vmem>>) offsets(%dma_start3A_332 : memref<128xi32, #tpu.memory_space<vmem>>) semaphore(%dma_start3A_337 : memref<!tpu.dma_semaphore, #tpu.memory_space<semaphore_mem>>)
      } else {
      }
      %mul3A_126 = arith.constant 5 : i32
      %mul3A_127 = arith.muli %scan3A_80, %mul3A_126 : i32
      %add3A_128 = arith.constant 1 : i32
      %add3A_129 = arith.addi %mul3A_127, %add3A_128 : i32
      %mul3A_130 = arith.constant 128 : i32
      %mul3A_131 = arith.muli %add3A_129, %mul3A_130 : i32
      %dma_wait3A_132 = arith.constant 1 : i32
      %dma_wait3A_133 = arith.constant 1 : i32
      %dma_wait3A_134 = arith.constant 0 : i32
      %dma_wait3A_135 = arith.constant 0 : i32
      %dma_wait3A_136 = tpu.memref_slice %arg6[%dma_wait3A_132, %dma_wait3A_134, %dma_wait3A_135] : memref<5x128x128xf32, #tpu.memory_space<vmem>> -> memref<1x128x128xf32, #tpu.memory_space<vmem>>
      %dma_wait3A_137 = tpu.memref_squeeze %dma_wait3A_136 : memref<1x128x128xf32, #tpu.memory_space<vmem>> -> memref<128x128xf32, #tpu.memory_space<vmem>>
      %dma_wait3A_138 = tpu.memref_slice %arg5[%mul3A_131] : memref<25600xi32, #tpu.memory_space<vmem>> -> memref<128xi32, #tpu.memory_space<vmem>>
      %dma_wait3A_139 = arith.constant 0 : i32
      %dma_wait3A_140 = arith.constant 0 : i32
      %dma_wait3A_141 = tpu.memref_slice %arg3[%dma_wait3A_139, %dma_wait3A_140] : memref<1000000x128xf32, #tpu.memory_space<hbm>> -> memref<1000000x128xf32, #tpu.memory_space<hbm>>
      %dma_wait3A_142 = tpu.memref_slice %arg7[%dma_wait3A_133] : memref<5x!tpu.dma_semaphore, #tpu.memory_space<semaphore_mem>> -> memref<1x!tpu.dma_semaphore, #tpu.memory_space<semaphore_mem>>
      %dma_wait3A_143 = tpu.memref_squeeze %dma_wait3A_142 : memref<1x!tpu.dma_semaphore, #tpu.memory_space<semaphore_mem>> -> memref<!tpu.dma_semaphore, #tpu.memory_space<semaphore_mem>>
      tpu.wait_indirect_dma semaphore(%dma_wait3A_143 : memref<!tpu.dma_semaphore, #tpu.memory_space<semaphore_mem>>) src(%dma_wait3A_141 : memref<1000000x128xf32, #tpu.memory_space<hbm>>) dst(%dma_wait3A_137 : memref<128x128xf32, #tpu.memory_space<vmem>>)
      %mul3A_144 = arith.constant 128 : i32
      %mul3A_145 = arith.muli %add3A_129, %mul3A_144 : i32
      %add3A_146 = arith.addi %mul3A_2, %mul3A_145 : i32
      %dma_start3A_147 = arith.constant 1 : i32
      %dma_start3A_148 = arith.constant 1 : i32
      %dma_start3A_149 = arith.constant 0 : i32
      %dma_start3A_150 = arith.constant 0 : i32
      %dma_start3A_151 = tpu.memref_slice %arg6[%dma_start3A_147, %dma_start3A_149, %dma_start3A_150] : memref<5x128x128xf32, #tpu.memory_space<vmem>> -> memref<1x128x128xf32, #tpu.memory_space<vmem>>
      %dma_start3A_152 = tpu.memref_squeeze %dma_start3A_151 : memref<1x128x128xf32, #tpu.memory_space<vmem>> -> memref<128x128xf32, #tpu.memory_space<vmem>>
      %dma_start3A_153 = arith.constant 0 : i32
      %dma_start3A_154 = tpu.memref_slice %arg4[%add3A_146, %dma_start3A_153] : memref<819200x128xf32, #tpu.memory_space<hbm>> -> memref<128x128xf32, #tpu.memory_space<hbm>>
      %dma_start3A_155 = tpu.memref_slice %arg8[%dma_start3A_148] : memref<5x!tpu.dma_semaphore, #tpu.memory_space<semaphore_mem>> -> memref<1x!tpu.dma_semaphore, #tpu.memory_space<semaphore_mem>>
      %dma_start3A_156 = tpu.memref_squeeze %dma_start3A_155 : memref<1x!tpu.dma_semaphore, #tpu.memory_space<semaphore_mem>> -> memref<!tpu.dma_semaphore, #tpu.memory_space<semaphore_mem>>
      %dma_start3A_157 = arith.constant 0 : i32
      %dma_start3A_158 = tpu.memref_slice %arg4[%add3A_146, %dma_start3A_157] : memref<819200x128xf32, #tpu.memory_space<hbm>> -> memref<128x128xf32, #tpu.memory_space<hbm>>
      %dma_start3A_159 = arith.constant 0 : i32
      %dma_start3A_160 = arith.constant 0 : i32
      %dma_start3A_161 = tpu.memref_slice %arg6[%dma_start3A_147, %dma_start3A_159, %dma_start3A_160] : memref<5x128x128xf32, #tpu.memory_space<vmem>> -> memref<1x128x128xf32, #tpu.memory_space<vmem>>
      %dma_start3A_162 = tpu.memref_squeeze %dma_start3A_161 : memref<1x128x128xf32, #tpu.memory_space<vmem>> -> memref<128x128xf32, #tpu.memory_space<vmem>>
      tpu.enqueue_dma source(%dma_start3A_162 : memref<128x128xf32, #tpu.memory_space<vmem>>) target(%dma_start3A_158 : memref<128x128xf32, #tpu.memory_space<hbm>>) target_semaphore(%dma_start3A_156 : memref<!tpu.dma_semaphore, #tpu.memory_space<semaphore_mem>>)
      %ge3A_163 = arith.constant 2 : i32
      %ge3A_164 = arith.cmpi sge, %add3A_129, %ge3A_163 : i32
      %convert_element_type3A_165 = arith.extui %ge3A_164 : i1 to i32
      %cond3A_166 = arith.constant 0 : i32
      %cond3A_167 = arith.cmpi ne, %convert_element_type3A_165, %cond3A_166 : i32
      scf.if %cond3A_167 {
        %sub3A = arith.constant 2 : i32
        %sub3A_322 = arith.subi %add3A_129, %sub3A : i32
        %mul3A_323 = arith.constant 128 : i32
        %mul3A_324 = arith.muli %sub3A_322, %mul3A_323 : i32
        %add3A_325 = arith.addi %mul3A_2, %mul3A_324 : i32
        %dma_wait3A_326 = arith.constant 4 : i32
        %dma_wait3A_327 = arith.constant 4 : i32
        %dma_wait3A_328 = arith.constant 0 : i32
        %dma_wait3A_329 = arith.constant 0 : i32
        %dma_wait3A_330 = tpu.memref_slice %arg6[%dma_wait3A_326, %dma_wait3A_328, %dma_wait3A_329] : memref<5x128x128xf32, #tpu.memory_space<vmem>> -> memref<1x128x128xf32, #tpu.memory_space<vmem>>
        %dma_wait3A_331 = tpu.memref_squeeze %dma_wait3A_330 : memref<1x128x128xf32, #tpu.memory_space<vmem>> -> memref<128x128xf32, #tpu.memory_space<vmem>>
        %dma_wait3A_332 = arith.constant 0 : i32
        %dma_wait3A_333 = tpu.memref_slice %arg4[%add3A_325, %dma_wait3A_332] : memref<819200x128xf32, #tpu.memory_space<hbm>> -> memref<128x128xf32, #tpu.memory_space<hbm>>
        %dma_wait3A_334 = tpu.memref_slice %arg8[%dma_wait3A_327] : memref<5x!tpu.dma_semaphore, #tpu.memory_space<semaphore_mem>> -> memref<1x!tpu.dma_semaphore, #tpu.memory_space<semaphore_mem>>
        %dma_wait3A_335 = tpu.memref_squeeze %dma_wait3A_334 : memref<1x!tpu.dma_semaphore, #tpu.memory_space<semaphore_mem>> -> memref<!tpu.dma_semaphore, #tpu.memory_space<semaphore_mem>>
        %dma_wait3A_336 = arith.constant 0 : i32
        %dma_wait3A_337 = tpu.memref_slice %arg4[%add3A_325, %dma_wait3A_336] : memref<819200x128xf32, #tpu.memory_space<hbm>> -> memref<128x128xf32, #tpu.memory_space<hbm>>
        %dma_wait3A_338 = arith.constant 0 : i32
        %dma_wait3A_339 = arith.constant 0 : i32
        %dma_wait3A_340 = tpu.memref_slice %arg6[%dma_wait3A_326, %dma_wait3A_338, %dma_wait3A_339] : memref<5x128x128xf32, #tpu.memory_space<vmem>> -> memref<1x128x128xf32, #tpu.memory_space<vmem>>
        %dma_wait3A_341 = tpu.memref_squeeze %dma_wait3A_340 : memref<1x128x128xf32, #tpu.memory_space<vmem>> -> memref<128x128xf32, #tpu.memory_space<vmem>>
        tpu.wait_dma2 semaphore(%dma_wait3A_335 : memref<!tpu.dma_semaphore, #tpu.memory_space<semaphore_mem>>) src(%dma_wait3A_341 : memref<128x128xf32, #tpu.memory_space<vmem>>) dst(%dma_wait3A_337 : memref<128x128xf32, #tpu.memory_space<hbm>>)
      } else {
      }
      %add3A_168 = arith.constant 3 : i32
      %add3A_169 = arith.addi %add3A_129, %add3A_168 : i32
      %lt3A_170 = arith.constant 200 : i32
      %lt3A_171 = arith.cmpi slt, %add3A_169, %lt3A_170 : i32
      %convert_element_type3A_172 = arith.extui %lt3A_171 : i1 to i32
      %cond3A_173 = arith.constant 0 : i32
      %cond3A_174 = arith.cmpi ne, %convert_element_type3A_172, %cond3A_173 : i32
      scf.if %cond3A_174 {
        %add3A_322 = arith.constant 3 : i32
        %add3A_323 = arith.addi %add3A_129, %add3A_322 : i32
        %mul3A_324 = arith.constant 128 : i32
        %mul3A_325 = arith.muli %add3A_323, %mul3A_324 : i32
        %dma_start3A_326 = arith.constant 4 : i32
        %dma_start3A_327 = arith.constant 4 : i32
        %dma_start3A_328 = arith.constant 0 : i32
        %dma_start3A_329 = arith.constant 0 : i32
        %dma_start3A_330 = tpu.memref_slice %arg6[%dma_start3A_326, %dma_start3A_328, %dma_start3A_329] : memref<5x128x128xf32, #tpu.memory_space<vmem>> -> memref<1x128x128xf32, #tpu.memory_space<vmem>>
        %dma_start3A_331 = tpu.memref_squeeze %dma_start3A_330 : memref<1x128x128xf32, #tpu.memory_space<vmem>> -> memref<128x128xf32, #tpu.memory_space<vmem>>
        %dma_start3A_332 = tpu.memref_slice %arg5[%mul3A_325] : memref<25600xi32, #tpu.memory_space<vmem>> -> memref<128xi32, #tpu.memory_space<vmem>>
        %dma_start3A_333 = arith.constant 0 : i32
        %dma_start3A_334 = arith.constant 0 : i32
        %dma_start3A_335 = tpu.memref_slice %arg3[%dma_start3A_333, %dma_start3A_334] : memref<1000000x128xf32, #tpu.memory_space<hbm>> -> memref<1000000x128xf32, #tpu.memory_space<hbm>>
        %dma_start3A_336 = tpu.memref_slice %arg7[%dma_start3A_327] : memref<5x!tpu.dma_semaphore, #tpu.memory_space<semaphore_mem>> -> memref<1x!tpu.dma_semaphore, #tpu.memory_space<semaphore_mem>>
        %dma_start3A_337 = tpu.memref_squeeze %dma_start3A_336 : memref<1x!tpu.dma_semaphore, #tpu.memory_space<semaphore_mem>> -> memref<!tpu.dma_semaphore, #tpu.memory_space<semaphore_mem>>
        tpu.enqueue_indirect_dma source(%dma_start3A_335 : memref<1000000x128xf32, #tpu.memory_space<hbm>>) target(%dma_start3A_331 : memref<128x128xf32, #tpu.memory_space<vmem>>) offsets(%dma_start3A_332 : memref<128xi32, #tpu.memory_space<vmem>>) semaphore(%dma_start3A_337 : memref<!tpu.dma_semaphore, #tpu.memory_space<semaphore_mem>>)
      } else {
      }
      %mul3A_175 = arith.constant 5 : i32
      %mul3A_176 = arith.muli %scan3A_80, %mul3A_175 : i32
      %add3A_177 = arith.constant 2 : i32
      %add3A_178 = arith.addi %mul3A_176, %add3A_177 : i32
      %mul3A_179 = arith.constant 128 : i32
      %mul3A_180 = arith.muli %add3A_178, %mul3A_179 : i32
      %dma_wait3A_181 = arith.constant 2 : i32
      %dma_wait3A_182 = arith.constant 2 : i32
      %dma_wait3A_183 = arith.constant 0 : i32
      %dma_wait3A_184 = arith.constant 0 : i32
      %dma_wait3A_185 = tpu.memref_slice %arg6[%dma_wait3A_181, %dma_wait3A_183, %dma_wait3A_184] : memref<5x128x128xf32, #tpu.memory_space<vmem>> -> memref<1x128x128xf32, #tpu.memory_space<vmem>>
      %dma_wait3A_186 = tpu.memref_squeeze %dma_wait3A_185 : memref<1x128x128xf32, #tpu.memory_space<vmem>> -> memref<128x128xf32, #tpu.memory_space<vmem>>
      %dma_wait3A_187 = tpu.memref_slice %arg5[%mul3A_180] : memref<25600xi32, #tpu.memory_space<vmem>> -> memref<128xi32, #tpu.memory_space<vmem>>
      %dma_wait3A_188 = arith.constant 0 : i32
      %dma_wait3A_189 = arith.constant 0 : i32
      %dma_wait3A_190 = tpu.memref_slice %arg3[%dma_wait3A_188, %dma_wait3A_189] : memref<1000000x128xf32, #tpu.memory_space<hbm>> -> memref<1000000x128xf32, #tpu.memory_space<hbm>>
      %dma_wait3A_191 = tpu.memref_slice %arg7[%dma_wait3A_182] : memref<5x!tpu.dma_semaphore, #tpu.memory_space<semaphore_mem>> -> memref<1x!tpu.dma_semaphore, #tpu.memory_space<semaphore_mem>>
      %dma_wait3A_192 = tpu.memref_squeeze %dma_wait3A_191 : memref<1x!tpu.dma_semaphore, #tpu.memory_space<semaphore_mem>> -> memref<!tpu.dma_semaphore, #tpu.memory_space<semaphore_mem>>
      tpu.wait_indirect_dma semaphore(%dma_wait3A_192 : memref<!tpu.dma_semaphore, #tpu.memory_space<semaphore_mem>>) src(%dma_wait3A_190 : memref<1000000x128xf32, #tpu.memory_space<hbm>>) dst(%dma_wait3A_186 : memref<128x128xf32, #tpu.memory_space<vmem>>)
      %mul3A_193 = arith.constant 128 : i32
      %mul3A_194 = arith.muli %add3A_178, %mul3A_193 : i32
      %add3A_195 = arith.addi %mul3A_2, %mul3A_194 : i32
      %dma_start3A_196 = arith.constant 2 : i32
      %dma_start3A_197 = arith.constant 2 : i32
      %dma_start3A_198 = arith.constant 0 : i32
      %dma_start3A_199 = arith.constant 0 : i32
      %dma_start3A_200 = tpu.memref_slice %arg6[%dma_start3A_196, %dma_start3A_198, %dma_start3A_199] : memref<5x128x128xf32, #tpu.memory_space<vmem>> -> memref<1x128x128xf32, #tpu.memory_space<vmem>>
      %dma_start3A_201 = tpu.memref_squeeze %dma_start3A_200 : memref<1x128x128xf32, #tpu.memory_space<vmem>> -> memref<128x128xf32, #tpu.memory_space<vmem>>
      %dma_start3A_202 = arith.constant 0 : i32
      %dma_start3A_203 = tpu.memref_slice %arg4[%add3A_195, %dma_start3A_202] : memref<819200x128xf32, #tpu.memory_space<hbm>> -> memref<128x128xf32, #tpu.memory_space<hbm>>
      %dma_start3A_204 = tpu.memref_slice %arg8[%dma_start3A_197] : memref<5x!tpu.dma_semaphore, #tpu.memory_space<semaphore_mem>> -> memref<1x!tpu.dma_semaphore, #tpu.memory_space<semaphore_mem>>
      %dma_start3A_205 = tpu.memref_squeeze %dma_start3A_204 : memref<1x!tpu.dma_semaphore, #tpu.memory_space<semaphore_mem>> -> memref<!tpu.dma_semaphore, #tpu.memory_space<semaphore_mem>>
      %dma_start3A_206 = arith.constant 0 : i32
      %dma_start3A_207 = tpu.memref_slice %arg4[%add3A_195, %dma_start3A_206] : memref<819200x128xf32, #tpu.memory_space<hbm>> -> memref<128x128xf32, #tpu.memory_space<hbm>>
      %dma_start3A_208 = arith.constant 0 : i32
      %dma_start3A_209 = arith.constant 0 : i32
      %dma_start3A_210 = tpu.memref_slice %arg6[%dma_start3A_196, %dma_start3A_208, %dma_start3A_209] : memref<5x128x128xf32, #tpu.memory_space<vmem>> -> memref<1x128x128xf32, #tpu.memory_space<vmem>>
      %dma_start3A_211 = tpu.memref_squeeze %dma_start3A_210 : memref<1x128x128xf32, #tpu.memory_space<vmem>> -> memref<128x128xf32, #tpu.memory_space<vmem>>
      tpu.enqueue_dma source(%dma_start3A_211 : memref<128x128xf32, #tpu.memory_space<vmem>>) target(%dma_start3A_207 : memref<128x128xf32, #tpu.memory_space<hbm>>) target_semaphore(%dma_start3A_205 : memref<!tpu.dma_semaphore, #tpu.memory_space<semaphore_mem>>)
      %ge3A_212 = arith.constant 2 : i32
      %ge3A_213 = arith.cmpi sge, %add3A_178, %ge3A_212 : i32
      %convert_element_type3A_214 = arith.extui %ge3A_213 : i1 to i32
      %cond3A_215 = arith.constant 0 : i32
      %cond3A_216 = arith.cmpi ne, %convert_element_type3A_214, %cond3A_215 : i32
      scf.if %cond3A_216 {
        %sub3A = arith.constant 2 : i32
        %sub3A_322 = arith.subi %add3A_178, %sub3A : i32
        %mul3A_323 = arith.constant 128 : i32
        %mul3A_324 = arith.muli %sub3A_322, %mul3A_323 : i32
        %add3A_325 = arith.addi %mul3A_2, %mul3A_324 : i32
        %dma_wait3A_326 = arith.constant 0 : i32
        %dma_wait3A_327 = arith.constant 0 : i32
        %dma_wait3A_328 = arith.constant 0 : i32
        %dma_wait3A_329 = arith.constant 0 : i32
        %dma_wait3A_330 = tpu.memref_slice %arg6[%dma_wait3A_326, %dma_wait3A_328, %dma_wait3A_329] : memref<5x128x128xf32, #tpu.memory_space<vmem>> -> memref<1x128x128xf32, #tpu.memory_space<vmem>>
        %dma_wait3A_331 = tpu.memref_squeeze %dma_wait3A_330 : memref<1x128x128xf32, #tpu.memory_space<vmem>> -> memref<128x128xf32, #tpu.memory_space<vmem>>
        %dma_wait3A_332 = arith.constant 0 : i32
        %dma_wait3A_333 = tpu.memref_slice %arg4[%add3A_325, %dma_wait3A_332] : memref<819200x128xf32, #tpu.memory_space<hbm>> -> memref<128x128xf32, #tpu.memory_space<hbm>>
        %dma_wait3A_334 = tpu.memref_slice %arg8[%dma_wait3A_327] : memref<5x!tpu.dma_semaphore, #tpu.memory_space<semaphore_mem>> -> memref<1x!tpu.dma_semaphore, #tpu.memory_space<semaphore_mem>>
        %dma_wait3A_335 = tpu.memref_squeeze %dma_wait3A_334 : memref<1x!tpu.dma_semaphore, #tpu.memory_space<semaphore_mem>> -> memref<!tpu.dma_semaphore, #tpu.memory_space<semaphore_mem>>
        %dma_wait3A_336 = arith.constant 0 : i32
        %dma_wait3A_337 = tpu.memref_slice %arg4[%add3A_325, %dma_wait3A_336] : memref<819200x128xf32, #tpu.memory_space<hbm>> -> memref<128x128xf32, #tpu.memory_space<hbm>>
        %dma_wait3A_338 = arith.constant 0 : i32
        %dma_wait3A_339 = arith.constant 0 : i32
        %dma_wait3A_340 = tpu.memref_slice %arg6[%dma_wait3A_326, %dma_wait3A_338, %dma_wait3A_339] : memref<5x128x128xf32, #tpu.memory_space<vmem>> -> memref<1x128x128xf32, #tpu.memory_space<vmem>>
        %dma_wait3A_341 = tpu.memref_squeeze %dma_wait3A_340 : memref<1x128x128xf32, #tpu.memory_space<vmem>> -> memref<128x128xf32, #tpu.memory_space<vmem>>
        tpu.wait_dma2 semaphore(%dma_wait3A_335 : memref<!tpu.dma_semaphore, #tpu.memory_space<semaphore_mem>>) src(%dma_wait3A_341 : memref<128x128xf32, #tpu.memory_space<vmem>>) dst(%dma_wait3A_337 : memref<128x128xf32, #tpu.memory_space<hbm>>)
      } else {
      }
      %add3A_217 = arith.constant 3 : i32
      %add3A_218 = arith.addi %add3A_178, %add3A_217 : i32
      %lt3A_219 = arith.constant 200 : i32
      %lt3A_220 = arith.cmpi slt, %add3A_218, %lt3A_219 : i32
      %convert_element_type3A_221 = arith.extui %lt3A_220 : i1 to i32
      %cond3A_222 = arith.constant 0 : i32
      %cond3A_223 = arith.cmpi ne, %convert_element_type3A_221, %cond3A_222 : i32
      scf.if %cond3A_223 {
        %add3A_322 = arith.constant 3 : i32
        %add3A_323 = arith.addi %add3A_178, %add3A_322 : i32
        %mul3A_324 = arith.constant 128 : i32
        %mul3A_325 = arith.muli %add3A_323, %mul3A_324 : i32
        %dma_start3A_326 = arith.constant 0 : i32
        %dma_start3A_327 = arith.constant 0 : i32
        %dma_start3A_328 = arith.constant 0 : i32
        %dma_start3A_329 = arith.constant 0 : i32
        %dma_start3A_330 = tpu.memref_slice %arg6[%dma_start3A_326, %dma_start3A_328, %dma_start3A_329] : memref<5x128x128xf32, #tpu.memory_space<vmem>> -> memref<1x128x128xf32, #tpu.memory_space<vmem>>
        %dma_start3A_331 = tpu.memref_squeeze %dma_start3A_330 : memref<1x128x128xf32, #tpu.memory_space<vmem>> -> memref<128x128xf32, #tpu.memory_space<vmem>>
        %dma_start3A_332 = tpu.memref_slice %arg5[%mul3A_325] : memref<25600xi32, #tpu.memory_space<vmem>> -> memref<128xi32, #tpu.memory_space<vmem>>
        %dma_start3A_333 = arith.constant 0 : i32
        %dma_start3A_334 = arith.constant 0 : i32
        %dma_start3A_335 = tpu.memref_slice %arg3[%dma_start3A_333, %dma_start3A_334] : memref<1000000x128xf32, #tpu.memory_space<hbm>> -> memref<1000000x128xf32, #tpu.memory_space<hbm>>
        %dma_start3A_336 = tpu.memref_slice %arg7[%dma_start3A_327] : memref<5x!tpu.dma_semaphore, #tpu.memory_space<semaphore_mem>> -> memref<1x!tpu.dma_semaphore, #tpu.memory_space<semaphore_mem>>
        %dma_start3A_337 = tpu.memref_squeeze %dma_start3A_336 : memref<1x!tpu.dma_semaphore, #tpu.memory_space<semaphore_mem>> -> memref<!tpu.dma_semaphore, #tpu.memory_space<semaphore_mem>>
        tpu.enqueue_indirect_dma source(%dma_start3A_335 : memref<1000000x128xf32, #tpu.memory_space<hbm>>) target(%dma_start3A_331 : memref<128x128xf32, #tpu.memory_space<vmem>>) offsets(%dma_start3A_332 : memref<128xi32, #tpu.memory_space<vmem>>) semaphore(%dma_start3A_337 : memref<!tpu.dma_semaphore, #tpu.memory_space<semaphore_mem>>)
      } else {
      }
      %mul3A_224 = arith.constant 5 : i32
      %mul3A_225 = arith.muli %scan3A_80, %mul3A_224 : i32
      %add3A_226 = arith.constant 3 : i32
      %add3A_227 = arith.addi %mul3A_225, %add3A_226 : i32
      %mul3A_228 = arith.constant 128 : i32
      %mul3A_229 = arith.muli %add3A_227, %mul3A_228 : i32
      %dma_wait3A_230 = arith.constant 3 : i32
      %dma_wait3A_231 = arith.constant 3 : i32
      %dma_wait3A_232 = arith.constant 0 : i32
      %dma_wait3A_233 = arith.constant 0 : i32
      %dma_wait3A_234 = tpu.memref_slice %arg6[%dma_wait3A_230, %dma_wait3A_232, %dma_wait3A_233] : memref<5x128x128xf32, #tpu.memory_space<vmem>> -> memref<1x128x128xf32, #tpu.memory_space<vmem>>
      %dma_wait3A_235 = tpu.memref_squeeze %dma_wait3A_234 : memref<1x128x128xf32, #tpu.memory_space<vmem>> -> memref<128x128xf32, #tpu.memory_space<vmem>>
      %dma_wait3A_236 = tpu.memref_slice %arg5[%mul3A_229] : memref<25600xi32, #tpu.memory_space<vmem>> -> memref<128xi32, #tpu.memory_space<vmem>>
      %dma_wait3A_237 = arith.constant 0 : i32
      %dma_wait3A_238 = arith.constant 0 : i32
      %dma_wait3A_239 = tpu.memref_slice %arg3[%dma_wait3A_237, %dma_wait3A_238] : memref<1000000x128xf32, #tpu.memory_space<hbm>> -> memref<1000000x128xf32, #tpu.memory_space<hbm>>
      %dma_wait3A_240 = tpu.memref_slice %arg7[%dma_wait3A_231] : memref<5x!tpu.dma_semaphore, #tpu.memory_space<semaphore_mem>> -> memref<1x!tpu.dma_semaphore, #tpu.memory_space<semaphore_mem>>
      %dma_wait3A_241 = tpu.memref_squeeze %dma_wait3A_240 : memref<1x!tpu.dma_semaphore, #tpu.memory_space<semaphore_mem>> -> memref<!tpu.dma_semaphore, #tpu.memory_space<semaphore_mem>>
      tpu.wait_indirect_dma semaphore(%dma_wait3A_241 : memref<!tpu.dma_semaphore, #tpu.memory_space<semaphore_mem>>) src(%dma_wait3A_239 : memref<1000000x128xf32, #tpu.memory_space<hbm>>) dst(%dma_wait3A_235 : memref<128x128xf32, #tpu.memory_space<vmem>>)
      %mul3A_242 = arith.constant 128 : i32
      %mul3A_243 = arith.muli %add3A_227, %mul3A_242 : i32
      %add3A_244 = arith.addi %mul3A_2, %mul3A_243 : i32
      %dma_start3A_245 = arith.constant 3 : i32
      %dma_start3A_246 = arith.constant 3 : i32
      %dma_start3A_247 = arith.constant 0 : i32
      %dma_start3A_248 = arith.constant 0 : i32
      %dma_start3A_249 = tpu.memref_slice %arg6[%dma_start3A_245, %dma_start3A_247, %dma_start3A_248] : memref<5x128x128xf32, #tpu.memory_space<vmem>> -> memref<1x128x128xf32, #tpu.memory_space<vmem>>
      %dma_start3A_250 = tpu.memref_squeeze %dma_start3A_249 : memref<1x128x128xf32, #tpu.memory_space<vmem>> -> memref<128x128xf32, #tpu.memory_space<vmem>>
      %dma_start3A_251 = arith.constant 0 : i32
      %dma_start3A_252 = tpu.memref_slice %arg4[%add3A_244, %dma_start3A_251] : memref<819200x128xf32, #tpu.memory_space<hbm>> -> memref<128x128xf32, #tpu.memory_space<hbm>>
      %dma_start3A_253 = tpu.memref_slice %arg8[%dma_start3A_246] : memref<5x!tpu.dma_semaphore, #tpu.memory_space<semaphore_mem>> -> memref<1x!tpu.dma_semaphore, #tpu.memory_space<semaphore_mem>>
      %dma_start3A_254 = tpu.memref_squeeze %dma_start3A_253 : memref<1x!tpu.dma_semaphore, #tpu.memory_space<semaphore_mem>> -> memref<!tpu.dma_semaphore, #tpu.memory_space<semaphore_mem>>
      %dma_start3A_255 = arith.constant 0 : i32
      %dma_start3A_256 = tpu.memref_slice %arg4[%add3A_244, %dma_start3A_255] : memref<819200x128xf32, #tpu.memory_space<hbm>> -> memref<128x128xf32, #tpu.memory_space<hbm>>
      %dma_start3A_257 = arith.constant 0 : i32
      %dma_start3A_258 = arith.constant 0 : i32
      %dma_start3A_259 = tpu.memref_slice %arg6[%dma_start3A_245, %dma_start3A_257, %dma_start3A_258] : memref<5x128x128xf32, #tpu.memory_space<vmem>> -> memref<1x128x128xf32, #tpu.memory_space<vmem>>
      %dma_start3A_260 = tpu.memref_squeeze %dma_start3A_259 : memref<1x128x128xf32, #tpu.memory_space<vmem>> -> memref<128x128xf32, #tpu.memory_space<vmem>>
      tpu.enqueue_dma source(%dma_start3A_260 : memref<128x128xf32, #tpu.memory_space<vmem>>) target(%dma_start3A_256 : memref<128x128xf32, #tpu.memory_space<hbm>>) target_semaphore(%dma_start3A_254 : memref<!tpu.dma_semaphore, #tpu.memory_space<semaphore_mem>>)
      %ge3A_261 = arith.constant 2 : i32
      %ge3A_262 = arith.cmpi sge, %add3A_227, %ge3A_261 : i32
      %convert_element_type3A_263 = arith.extui %ge3A_262 : i1 to i32
      %cond3A_264 = arith.constant 0 : i32
      %cond3A_265 = arith.cmpi ne, %convert_element_type3A_263, %cond3A_264 : i32
      scf.if %cond3A_265 {
        %sub3A = arith.constant 2 : i32
        %sub3A_322 = arith.subi %add3A_227, %sub3A : i32
        %mul3A_323 = arith.constant 128 : i32
        %mul3A_324 = arith.muli %sub3A_322, %mul3A_323 : i32
        %add3A_325 = arith.addi %mul3A_2, %mul3A_324 : i32
        %dma_wait3A_326 = arith.constant 1 : i32
        %dma_wait3A_327 = arith.constant 1 : i32
        %dma_wait3A_328 = arith.constant 0 : i32
        %dma_wait3A_329 = arith.constant 0 : i32
        %dma_wait3A_330 = tpu.memref_slice %arg6[%dma_wait3A_326, %dma_wait3A_328, %dma_wait3A_329] : memref<5x128x128xf32, #tpu.memory_space<vmem>> -> memref<1x128x128xf32, #tpu.memory_space<vmem>>
        %dma_wait3A_331 = tpu.memref_squeeze %dma_wait3A_330 : memref<1x128x128xf32, #tpu.memory_space<vmem>> -> memref<128x128xf32, #tpu.memory_space<vmem>>
        %dma_wait3A_332 = arith.constant 0 : i32
        %dma_wait3A_333 = tpu.memref_slice %arg4[%add3A_325, %dma_wait3A_332] : memref<819200x128xf32, #tpu.memory_space<hbm>> -> memref<128x128xf32, #tpu.memory_space<hbm>>
        %dma_wait3A_334 = tpu.memref_slice %arg8[%dma_wait3A_327] : memref<5x!tpu.dma_semaphore, #tpu.memory_space<semaphore_mem>> -> memref<1x!tpu.dma_semaphore, #tpu.memory_space<semaphore_mem>>
        %dma_wait3A_335 = tpu.memref_squeeze %dma_wait3A_334 : memref<1x!tpu.dma_semaphore, #tpu.memory_space<semaphore_mem>> -> memref<!tpu.dma_semaphore, #tpu.memory_space<semaphore_mem>>
        %dma_wait3A_336 = arith.constant 0 : i32
        %dma_wait3A_337 = tpu.memref_slice %arg4[%add3A_325, %dma_wait3A_336] : memref<819200x128xf32, #tpu.memory_space<hbm>> -> memref<128x128xf32, #tpu.memory_space<hbm>>
        %dma_wait3A_338 = arith.constant 0 : i32
        %dma_wait3A_339 = arith.constant 0 : i32
        %dma_wait3A_340 = tpu.memref_slice %arg6[%dma_wait3A_326, %dma_wait3A_338, %dma_wait3A_339] : memref<5x128x128xf32, #tpu.memory_space<vmem>> -> memref<1x128x128xf32, #tpu.memory_space<vmem>>
        %dma_wait3A_341 = tpu.memref_squeeze %dma_wait3A_340 : memref<1x128x128xf32, #tpu.memory_space<vmem>> -> memref<128x128xf32, #tpu.memory_space<vmem>>
        tpu.wait_dma2 semaphore(%dma_wait3A_335 : memref<!tpu.dma_semaphore, #tpu.memory_space<semaphore_mem>>) src(%dma_wait3A_341 : memref<128x128xf32, #tpu.memory_space<vmem>>) dst(%dma_wait3A_337 : memref<128x128xf32, #tpu.memory_space<hbm>>)
      } else {
      }
      %add3A_266 = arith.constant 3 : i32
      %add3A_267 = arith.addi %add3A_227, %add3A_266 : i32
      %lt3A_268 = arith.constant 200 : i32
      %lt3A_269 = arith.cmpi slt, %add3A_267, %lt3A_268 : i32
      %convert_element_type3A_270 = arith.extui %lt3A_269 : i1 to i32
      %cond3A_271 = arith.constant 0 : i32
      %cond3A_272 = arith.cmpi ne, %convert_element_type3A_270, %cond3A_271 : i32
      scf.if %cond3A_272 {
        %add3A_322 = arith.constant 3 : i32
        %add3A_323 = arith.addi %add3A_227, %add3A_322 : i32
        %mul3A_324 = arith.constant 128 : i32
        %mul3A_325 = arith.muli %add3A_323, %mul3A_324 : i32
        %dma_start3A_326 = arith.constant 1 : i32
        %dma_start3A_327 = arith.constant 1 : i32
        %dma_start3A_328 = arith.constant 0 : i32
        %dma_start3A_329 = arith.constant 0 : i32
        %dma_start3A_330 = tpu.memref_slice %arg6[%dma_start3A_326, %dma_start3A_328, %dma_start3A_329] : memref<5x128x128xf32, #tpu.memory_space<vmem>> -> memref<1x128x128xf32, #tpu.memory_space<vmem>>
        %dma_start3A_331 = tpu.memref_squeeze %dma_start3A_330 : memref<1x128x128xf32, #tpu.memory_space<vmem>> -> memref<128x128xf32, #tpu.memory_space<vmem>>
        %dma_start3A_332 = tpu.memref_slice %arg5[%mul3A_325] : memref<25600xi32, #tpu.memory_space<vmem>> -> memref<128xi32, #tpu.memory_space<vmem>>
        %dma_start3A_333 = arith.constant 0 : i32
        %dma_start3A_334 = arith.constant 0 : i32
        %dma_start3A_335 = tpu.memref_slice %arg3[%dma_start3A_333, %dma_start3A_334] : memref<1000000x128xf32, #tpu.memory_space<hbm>> -> memref<1000000x128xf32, #tpu.memory_space<hbm>>
        %dma_start3A_336 = tpu.memref_slice %arg7[%dma_start3A_327] : memref<5x!tpu.dma_semaphore, #tpu.memory_space<semaphore_mem>> -> memref<1x!tpu.dma_semaphore, #tpu.memory_space<semaphore_mem>>
        %dma_start3A_337 = tpu.memref_squeeze %dma_start3A_336 : memref<1x!tpu.dma_semaphore, #tpu.memory_space<semaphore_mem>> -> memref<!tpu.dma_semaphore, #tpu.memory_space<semaphore_mem>>
        tpu.enqueue_indirect_dma source(%dma_start3A_335 : memref<1000000x128xf32, #tpu.memory_space<hbm>>) target(%dma_start3A_331 : memref<128x128xf32, #tpu.memory_space<vmem>>) offsets(%dma_start3A_332 : memref<128xi32, #tpu.memory_space<vmem>>) semaphore(%dma_start3A_337 : memref<!tpu.dma_semaphore, #tpu.memory_space<semaphore_mem>>)
      } else {
      }
      %mul3A_273 = arith.constant 5 : i32
      %mul3A_274 = arith.muli %scan3A_80, %mul3A_273 : i32
      %add3A_275 = arith.constant 4 : i32
      %add3A_276 = arith.addi %mul3A_274, %add3A_275 : i32
      %mul3A_277 = arith.constant 128 : i32
      %mul3A_278 = arith.muli %add3A_276, %mul3A_277 : i32
      %dma_wait3A_279 = arith.constant 4 : i32
      %dma_wait3A_280 = arith.constant 4 : i32
      %dma_wait3A_281 = arith.constant 0 : i32
      %dma_wait3A_282 = arith.constant 0 : i32
      %dma_wait3A_283 = tpu.memref_slice %arg6[%dma_wait3A_279, %dma_wait3A_281, %dma_wait3A_282] : memref<5x128x128xf32, #tpu.memory_space<vmem>> -> memref<1x128x128xf32, #tpu.memory_space<vmem>>
      %dma_wait3A_284 = tpu.memref_squeeze %dma_wait3A_283 : memref<1x128x128xf32, #tpu.memory_space<vmem>> -> memref<128x128xf32, #tpu.memory_space<vmem>>
      %dma_wait3A_285 = tpu.memref_slice %arg5[%mul3A_278] : memref<25600xi32, #tpu.memory_space<vmem>> -> memref<128xi32, #tpu.memory_space<vmem>>
      %dma_wait3A_286 = arith.constant 0 : i32
      %dma_wait3A_287 = arith.constant 0 : i32
      %dma_wait3A_288 = tpu.memref_slice %arg3[%dma_wait3A_286, %dma_wait3A_287] : memref<1000000x128xf32, #tpu.memory_space<hbm>> -> memref<1000000x128xf32, #tpu.memory_space<hbm>>
      %dma_wait3A_289 = tpu.memref_slice %arg7[%dma_wait3A_280] : memref<5x!tpu.dma_semaphore, #tpu.memory_space<semaphore_mem>> -> memref<1x!tpu.dma_semaphore, #tpu.memory_space<semaphore_mem>>
      %dma_wait3A_290 = tpu.memref_squeeze %dma_wait3A_289 : memref<1x!tpu.dma_semaphore, #tpu.memory_space<semaphore_mem>> -> memref<!tpu.dma_semaphore, #tpu.memory_space<semaphore_mem>>
      tpu.wait_indirect_dma semaphore(%dma_wait3A_290 : memref<!tpu.dma_semaphore, #tpu.memory_space<semaphore_mem>>) src(%dma_wait3A_288 : memref<1000000x128xf32, #tpu.memory_space<hbm>>) dst(%dma_wait3A_284 : memref<128x128xf32, #tpu.memory_space<vmem>>)
      %mul3A_291 = arith.constant 128 : i32
      %mul3A_292 = arith.muli %add3A_276, %mul3A_291 : i32
      %add3A_293 = arith.addi %mul3A_2, %mul3A_292 : i32
      %dma_start3A_294 = arith.constant 4 : i32
      %dma_start3A_295 = arith.constant 4 : i32
      %dma_start3A_296 = arith.constant 0 : i32
      %dma_start3A_297 = arith.constant 0 : i32
      %dma_start3A_298 = tpu.memref_slice %arg6[%dma_start3A_294, %dma_start3A_296, %dma_start3A_297] : memref<5x128x128xf32, #tpu.memory_space<vmem>> -> memref<1x128x128xf32, #tpu.memory_space<vmem>>
      %dma_start3A_299 = tpu.memref_squeeze %dma_start3A_298 : memref<1x128x128xf32, #tpu.memory_space<vmem>> -> memref<128x128xf32, #tpu.memory_space<vmem>>
      %dma_start3A_300 = arith.constant 0 : i32
      %dma_start3A_301 = tpu.memref_slice %arg4[%add3A_293, %dma_start3A_300] : memref<819200x128xf32, #tpu.memory_space<hbm>> -> memref<128x128xf32, #tpu.memory_space<hbm>>
      %dma_start3A_302 = tpu.memref_slice %arg8[%dma_start3A_295] : memref<5x!tpu.dma_semaphore, #tpu.memory_space<semaphore_mem>> -> memref<1x!tpu.dma_semaphore, #tpu.memory_space<semaphore_mem>>
      %dma_start3A_303 = tpu.memref_squeeze %dma_start3A_302 : memref<1x!tpu.dma_semaphore, #tpu.memory_space<semaphore_mem>> -> memref<!tpu.dma_semaphore, #tpu.memory_space<semaphore_mem>>
      %dma_start3A_304 = arith.constant 0 : i32
      %dma_start3A_305 = tpu.memref_slice %arg4[%add3A_293, %dma_start3A_304] : memref<819200x128xf32, #tpu.memory_space<hbm>> -> memref<128x128xf32, #tpu.memory_space<hbm>>
      %dma_start3A_306 = arith.constant 0 : i32
      %dma_start3A_307 = arith.constant 0 : i32
      %dma_start3A_308 = tpu.memref_slice %arg6[%dma_start3A_294, %dma_start3A_306, %dma_start3A_307] : memref<5x128x128xf32, #tpu.memory_space<vmem>> -> memref<1x128x128xf32, #tpu.memory_space<vmem>>
      %dma_start3A_309 = tpu.memref_squeeze %dma_start3A_308 : memref<1x128x128xf32, #tpu.memory_space<vmem>> -> memref<128x128xf32, #tpu.memory_space<vmem>>
      tpu.enqueue_dma source(%dma_start3A_309 : memref<128x128xf32, #tpu.memory_space<vmem>>) target(%dma_start3A_305 : memref<128x128xf32, #tpu.memory_space<hbm>>) target_semaphore(%dma_start3A_303 : memref<!tpu.dma_semaphore, #tpu.memory_space<semaphore_mem>>)
      %ge3A_310 = arith.constant 2 : i32
      %ge3A_311 = arith.cmpi sge, %add3A_276, %ge3A_310 : i32
      %convert_element_type3A_312 = arith.extui %ge3A_311 : i1 to i32
      %cond3A_313 = arith.constant 0 : i32
      %cond3A_314 = arith.cmpi ne, %convert_element_type3A_312, %cond3A_313 : i32
      scf.if %cond3A_314 {
        %sub3A = arith.constant 2 : i32
        %sub3A_322 = arith.subi %add3A_276, %sub3A : i32
        %mul3A_323 = arith.constant 128 : i32
        %mul3A_324 = arith.muli %sub3A_322, %mul3A_323 : i32
        %add3A_325 = arith.addi %mul3A_2, %mul3A_324 : i32
        %dma_wait3A_326 = arith.constant 2 : i32
        %dma_wait3A_327 = arith.constant 2 : i32
        %dma_wait3A_328 = arith.constant 0 : i32
        %dma_wait3A_329 = arith.constant 0 : i32
        %dma_wait3A_330 = tpu.memref_slice %arg6[%dma_wait3A_326, %dma_wait3A_328, %dma_wait3A_329] : memref<5x128x128xf32, #tpu.memory_space<vmem>> -> memref<1x128x128xf32, #tpu.memory_space<vmem>>
        %dma_wait3A_331 = tpu.memref_squeeze %dma_wait3A_330 : memref<1x128x128xf32, #tpu.memory_space<vmem>> -> memref<128x128xf32, #tpu.memory_space<vmem>>
        %dma_wait3A_332 = arith.constant 0 : i32
        %dma_wait3A_333 = tpu.memref_slice %arg4[%add3A_325, %dma_wait3A_332] : memref<819200x128xf32, #tpu.memory_space<hbm>> -> memref<128x128xf32, #tpu.memory_space<hbm>>
        %dma_wait3A_334 = tpu.memref_slice %arg8[%dma_wait3A_327] : memref<5x!tpu.dma_semaphore, #tpu.memory_space<semaphore_mem>> -> memref<1x!tpu.dma_semaphore, #tpu.memory_space<semaphore_mem>>
        %dma_wait3A_335 = tpu.memref_squeeze %dma_wait3A_334 : memref<1x!tpu.dma_semaphore, #tpu.memory_space<semaphore_mem>> -> memref<!tpu.dma_semaphore, #tpu.memory_space<semaphore_mem>>
        %dma_wait3A_336 = arith.constant 0 : i32
        %dma_wait3A_337 = tpu.memref_slice %arg4[%add3A_325, %dma_wait3A_336] : memref<819200x128xf32, #tpu.memory_space<hbm>> -> memref<128x128xf32, #tpu.memory_space<hbm>>
        %dma_wait3A_338 = arith.constant 0 : i32
        %dma_wait3A_339 = arith.constant 0 : i32
        %dma_wait3A_340 = tpu.memref_slice %arg6[%dma_wait3A_326, %dma_wait3A_338, %dma_wait3A_339] : memref<5x128x128xf32, #tpu.memory_space<vmem>> -> memref<1x128x128xf32, #tpu.memory_space<vmem>>
        %dma_wait3A_341 = tpu.memref_squeeze %dma_wait3A_340 : memref<1x128x128xf32, #tpu.memory_space<vmem>> -> memref<128x128xf32, #tpu.memory_space<vmem>>
        tpu.wait_dma2 semaphore(%dma_wait3A_335 : memref<!tpu.dma_semaphore, #tpu.memory_space<semaphore_mem>>) src(%dma_wait3A_341 : memref<128x128xf32, #tpu.memory_space<vmem>>) dst(%dma_wait3A_337 : memref<128x128xf32, #tpu.memory_space<hbm>>)
      } else {
      }
      %add3A_315 = arith.constant 3 : i32
      %add3A_316 = arith.addi %add3A_276, %add3A_315 : i32
      %lt3A_317 = arith.constant 200 : i32
      %lt3A_318 = arith.cmpi slt, %add3A_316, %lt3A_317 : i32
      %convert_element_type3A_319 = arith.extui %lt3A_318 : i1 to i32
      %cond3A_320 = arith.constant 0 : i32
      %cond3A_321 = arith.cmpi ne, %convert_element_type3A_319, %cond3A_320 : i32
      scf.if %cond3A_321 {
        %add3A_322 = arith.constant 3 : i32
        %add3A_323 = arith.addi %add3A_276, %add3A_322 : i32
        %mul3A_324 = arith.constant 128 : i32
        %mul3A_325 = arith.muli %add3A_323, %mul3A_324 : i32
        %dma_start3A_326 = arith.constant 2 : i32
        %dma_start3A_327 = arith.constant 2 : i32
        %dma_start3A_328 = arith.constant 0 : i32
        %dma_start3A_329 = arith.constant 0 : i32
        %dma_start3A_330 = tpu.memref_slice %arg6[%dma_start3A_326, %dma_start3A_328, %dma_start3A_329] : memref<5x128x128xf32, #tpu.memory_space<vmem>> -> memref<1x128x128xf32, #tpu.memory_space<vmem>>
        %dma_start3A_331 = tpu.memref_squeeze %dma_start3A_330 : memref<1x128x128xf32, #tpu.memory_space<vmem>> -> memref<128x128xf32, #tpu.memory_space<vmem>>
        %dma_start3A_332 = tpu.memref_slice %arg5[%mul3A_325] : memref<25600xi32, #tpu.memory_space<vmem>> -> memref<128xi32, #tpu.memory_space<vmem>>
        %dma_start3A_333 = arith.constant 0 : i32
        %dma_start3A_334 = arith.constant 0 : i32
        %dma_start3A_335 = tpu.memref_slice %arg3[%dma_start3A_333, %dma_start3A_334] : memref<1000000x128xf32, #tpu.memory_space<hbm>> -> memref<1000000x128xf32, #tpu.memory_space<hbm>>
        %dma_start3A_336 = tpu.memref_slice %arg7[%dma_start3A_327] : memref<5x!tpu.dma_semaphore, #tpu.memory_space<semaphore_mem>> -> memref<1x!tpu.dma_semaphore, #tpu.memory_space<semaphore_mem>>
        %dma_start3A_337 = tpu.memref_squeeze %dma_start3A_336 : memref<1x!tpu.dma_semaphore, #tpu.memory_space<semaphore_mem>> -> memref<!tpu.dma_semaphore, #tpu.memory_space<semaphore_mem>>
        tpu.enqueue_indirect_dma source(%dma_start3A_335 : memref<1000000x128xf32, #tpu.memory_space<hbm>>) target(%dma_start3A_331 : memref<128x128xf32, #tpu.memory_space<vmem>>) offsets(%dma_start3A_332 : memref<128xi32, #tpu.memory_space<vmem>>) semaphore(%dma_start3A_337 : memref<!tpu.dma_semaphore, #tpu.memory_space<semaphore_mem>>)
      } else {
      }
    }
    %scan3A_44 = arith.constant 40 : i32
    %add3A_45 = arith.constant 25344 : i32
    %add3A_46 = arith.addi %mul3A_2, %add3A_45 : i32
    %dma_wait3A = arith.constant 3 : i32
    %dma_wait3A_47 = arith.constant 3 : i32
    %dma_wait3A_48 = arith.constant 0 : i32
    %dma_wait3A_49 = arith.constant 0 : i32
    %dma_wait3A_50 = tpu.memref_slice %arg6[%dma_wait3A, %dma_wait3A_48, %dma_wait3A_49] : memref<5x128x128xf32, #tpu.memory_space<vmem>> -> memref<1x128x128xf32, #tpu.memory_space<vmem>>
    %dma_wait3A_51 = tpu.memref_squeeze %dma_wait3A_50 : memref<1x128x128xf32, #tpu.memory_space<vmem>> -> memref<128x128xf32, #tpu.memory_space<vmem>>
    %dma_wait3A_52 = arith.constant 0 : i32
    %dma_wait3A_53 = tpu.memref_slice %arg4[%add3A_46, %dma_wait3A_52] : memref<819200x128xf32, #tpu.memory_space<hbm>> -> memref<128x128xf32, #tpu.memory_space<hbm>>
    %dma_wait3A_54 = tpu.memref_slice %arg8[%dma_wait3A_47] : memref<5x!tpu.dma_semaphore, #tpu.memory_space<semaphore_mem>> -> memref<1x!tpu.dma_semaphore, #tpu.memory_space<semaphore_mem>>
    %dma_wait3A_55 = tpu.memref_squeeze %dma_wait3A_54 : memref<1x!tpu.dma_semaphore, #tpu.memory_space<semaphore_mem>> -> memref<!tpu.dma_semaphore, #tpu.memory_space<semaphore_mem>>
    %dma_wait3A_56 = arith.constant 0 : i32
    %dma_wait3A_57 = tpu.memref_slice %arg4[%add3A_46, %dma_wait3A_56] : memref<819200x128xf32, #tpu.memory_space<hbm>> -> memref<128x128xf32, #tpu.memory_space<hbm>>
    %dma_wait3A_58 = arith.constant 0 : i32
    %dma_wait3A_59 = arith.constant 0 : i32
    %dma_wait3A_60 = tpu.memref_slice %arg6[%dma_wait3A, %dma_wait3A_58, %dma_wait3A_59] : memref<5x128x128xf32, #tpu.memory_space<vmem>> -> memref<1x128x128xf32, #tpu.memory_space<vmem>>
    %dma_wait3A_61 = tpu.memref_squeeze %dma_wait3A_60 : memref<1x128x128xf32, #tpu.memory_space<vmem>> -> memref<128x128xf32, #tpu.memory_space<vmem>>
    tpu.wait_dma2 semaphore(%dma_wait3A_55 : memref<!tpu.dma_semaphore, #tpu.memory_space<semaphore_mem>>) src(%dma_wait3A_61 : memref<128x128xf32, #tpu.memory_space<vmem>>) dst(%dma_wait3A_57 : memref<128x128xf32, #tpu.memory_space<hbm>>)
    %add3A_62 = arith.constant 25472 : i32
    %add3A_63 = arith.addi %mul3A_2, %add3A_62 : i32
    %dma_wait3A_64 = arith.constant 4 : i32
    %dma_wait3A_65 = arith.constant 4 : i32
    %dma_wait3A_66 = arith.constant 0 : i32
    %dma_wait3A_67 = arith.constant 0 : i32
    %dma_wait3A_68 = tpu.memref_slice %arg6[%dma_wait3A_64, %dma_wait3A_66, %dma_wait3A_67] : memref<5x128x128xf32, #tpu.memory_space<vmem>> -> memref<1x128x128xf32, #tpu.memory_space<vmem>>
    %dma_wait3A_69 = tpu.memref_squeeze %dma_wait3A_68 : memref<1x128x128xf32, #tpu.memory_space<vmem>> -> memref<128x128xf32, #tpu.memory_space<vmem>>
    %dma_wait3A_70 = arith.constant 0 : i32
    %dma_wait3A_71 = tpu.memref_slice %arg4[%add3A_63, %dma_wait3A_70] : memref<819200x128xf32, #tpu.memory_space<hbm>> -> memref<128x128xf32, #tpu.memory_space<hbm>>
    %dma_wait3A_72 = tpu.memref_slice %arg8[%dma_wait3A_65] : memref<5x!tpu.dma_semaphore, #tpu.memory_space<semaphore_mem>> -> memref<1x!tpu.dma_semaphore, #tpu.memory_space<semaphore_mem>>
    %dma_wait3A_73 = tpu.memref_squeeze %dma_wait3A_72 : memref<1x!tpu.dma_semaphore, #tpu.memory_space<semaphore_mem>> -> memref<!tpu.dma_semaphore, #tpu.memory_space<semaphore_mem>>
    %dma_wait3A_74 = arith.constant 0 : i32
    %dma_wait3A_75 = tpu.memref_slice %arg4[%add3A_63, %dma_wait3A_74] : memref<819200x128xf32, #tpu.memory_space<hbm>> -> memref<128x128xf32, #tpu.memory_space<hbm>>
    %dma_wait3A_76 = arith.constant 0 : i32
    %dma_wait3A_77 = arith.constant 0 : i32
    %dma_wait3A_78 = tpu.memref_slice %arg6[%dma_wait3A_64, %dma_wait3A_76, %dma_wait3A_77] : memref<5x128x128xf32, #tpu.memory_space<vmem>> -> memref<1x128x128xf32, #tpu.memory_space<vmem>>
    %dma_wait3A_79 = tpu.memref_squeeze %dma_wait3A_78 : memref<1x128x128xf32, #tpu.memory_space<vmem>> -> memref<128x128xf32, #tpu.memory_space<vmem>>
    tpu.wait_dma2 semaphore(%dma_wait3A_73 : memref<!tpu.dma_semaphore, #tpu.memory_space<semaphore_mem>>) src(%dma_wait3A_79 : memref<128x128xf32, #tpu.memory_space<vmem>>) dst(%dma_wait3A_75 : memref<128x128xf32, #tpu.memory_space<hbm>>)
    return
  }
}

</mosaic_0001>

<sc_bundles>
// kernel: kernel.3.cloned.1.call-start
scs
__scs_entry_jumppad:
0x0: {  	(pc) =	sbr.rel $0x88, $3  }
0x1: {  	(tag) =	ssettag $0x0;
	lr =	simm.s32 $0x1  }
0x2: {  	[smem:$0x3F9F] =	sst lr;
	_ =	strace $0xD0000000  }
0x3: {  	_ = 	snop  }
0x4: {  	_ = 	snop  }
0x5: {  	_ = 	snop  }
0x6: {  	_ = 	snop  }
0x7: {  	_ = 	snop  }
__scs_overlays_trampoline_lowered:
0x8: {  	[smem:$0x3FAE] =	sst s0  }
0x9: {  	[smem:$0x3FAF] =	sst s1  }
0xa: {  	[smem:$0x3FB0] =	sst s2  }
0xb: {  	[smem:$0x3FB1] =	sst s3  }
0xc: {  	[smem:$0x3FB2] =	sst s4  }
0xd: {  	[smem:$0x3FB3] =	sst s5  }
0xe: {  	[smem:$0x3FB4] =	sst s6  }
0xf: {  	[smem:$0x3FB5] =	sst s7  }
0x10: {  	[smem:$0x3FB6] =	sst s8  }
0x11: {  	[smem:$0x3FB7] =	sst s9;
	s0 =	simm.s32 @!p0 $0x0  }
0x12: {  	s1 =	sld [smem:$0x3F9D];
	s0 =	simm.s32 @p0 $0x1  }
0x13: {  	[smem:$0x3FB8] =	sst s0;
	s0 =	simm.s32 @!p1 $0x0  }
0x14: {  	s2 =	sld [smem:$0x3F9C];
	s0 =	simm.s32 @p1 $0x1  }
0x15: {  	[smem:$0x3FB9] =	sst s0;
	s0 =	simm.s32 @!p2 $0x0  }
0x16: {  	s3 =	sld [smem:$0x3FDB];
	s0 =	simm.s32 @p2 $0x1  }
0x17: {  	s4 =	simm.s32 $0x1BF5;
	[smem:$0x3FBB] =	sst s0  }
0x18: {  	s0 =	sld [smem:$0x3F9E];
	_ =	swait.ge [sflag:s4], $0x0  }
0x19: {  	s7 =	sld [smem:$0x3F9F]  }
0x1a: {  	s8 =	sadd.s32 $0xFFFFE003, lr  }
0x1b: {  	s9 =	sadd.s32 $0xFFFFFEF7, lr;
	s5 =	simm.s32 $0xFFFFFFFF;
	p2 =	slt.u32 s8, $0xFFFFF086  }
0x1c: {  	p1 =	slt.u32 s9, $0xF7A;
	s5 =	simm.s32 @!p2 $0x0  }
0x1d: {  	s5 =	simm.s32 @p1 $0x1;
	p0 =	seq.s32 s7, s2  }
0x1e: {  	s7 =	smul.u32 @!p0 $0xF7A, s2;
	p2 =	seq.s32 @!p0 s5, $0x0  }
0x1f: {  	s9 =	smul.u32 $0xF7A, s1;
	s8 =	simm.s32 @!p0 $0x1BF5;
	p2 =	por !p2, p0  }
0x20: {  	[sflag:s8] =	ssyncset.s32 @!p0 $0xFFFFF086;
	s6 =	sadd.s32 @!p0 s3, s7;
	s7 =	simm.s32 @!p0 $0x108  }
0x21: {  	s3 =	sadd.s32 s3, s9;
	s6 =	sadd.s32 @!p0 $0x88, s6;
	s7 =	simm.s32 @p2 $0x1082  }
0x22: {  	[simem:s7], [sflag:s8] =	dma.local @!p0 [hbm:s6], $0xF7A  }
0x23: {  	s9 =	sor.u32 $0xD0000000, s2;
	s6 =	simm.s32 $0x108;
	_ =	swait.ge @!p0 [sflag:s8], $0x0  }
0x24: {  	s3 =	sadd.s32 $0x88, s3;
	s6 =	simm.s32 @!p1 $0x1082;
	[sflag:s4] =	ssyncset.s32 $0xFFFFF086  }
0x25: {  	[simem:s6], [sflag:s4] =	dma.local [hbm:s3], $0xF7A  }
0x26: {  	[smem:$0x3F9F] =	sst s1;
	(tag) =	ssettag s2;
	_ =	strace s9  }
0x27: {  	s1 =	sld [smem:$0x3FAF]  }
0x28: {  	s2 =	sld [smem:$0x3FB0]  }
0x29: {  	s4 =	sld [smem:$0x3FB2]  }
0x2a: {  	p0 =	seq.s32 s5, $0x0;
	s5 =	sld [smem:$0x3FB3]  }
0x2b: {  	s6 =	sld [smem:$0x3FB4]  }
0x2c: {  	s7 =	sld [smem:$0x3FB5]  }
0x2d: {  	s3 =	simm.s32 $0x108;
	s8 =	sld [smem:$0x3FB6]  }
0x2e: {  	s3 =	simm.s32 @!p0 $0x1082;
	s9 =	sld [smem:$0x3FB7]  }
0x2f: {  	lr =	sadd.s32 s0, s3;
	s0 =	sld [smem:$0x3FAE]  }
0x30: {  	s3 =	sld [smem:$0x3FB1]  }
0x31: {  	[smem:$0x3FBA] =	sst s10  }
0x32: {  	s10 =	sld [smem:$0x3FB8];
	_ =	sdelay $0x3  }
0x33: {  	p0 =	seq.s32 s10, $0x1;
	s10 =	sld [smem:$0x3FBA];
	_ =	sdelay $0x3  }
0x34: {  	[smem:$0x3FBA] =	sst s10  }
0x35: {  	s10 =	sld [smem:$0x3FB9];
	_ =	sdelay $0x3  }
0x36: {  	p1 =	seq.s32 s10, $0x1;
	s10 =	sld [smem:$0x3FBA];
	_ =	sdelay $0x3  }
0x37: {  	[smem:$0x3FBA] =	sst s10  }
0x38: {  	s10 =	sld [smem:$0x3FBB]  }
0x39: {  	_ = 	snop;
	(pc) =	sbr.ind lr, $3  }
0x3a: {  	_ = 	snop  }
0x3b: {  	_ = 	snop  }
0x3c: {  	p2 =	seq.s32 s10, $0x1;
	s10 =	sld [smem:$0x3FBA]  }
0x3d: {  	_ =	shalt  }
0x3e: {  	_ =	shalt  }
0x3f: {  	_ =	shalt  }
0x40: {  	_ =	shalt  }
0x41: {  	_ =	shalt  }
0x42: {  	_ =	shalt  }
0x43: {  	_ =	shalt  }
0x44: {  	_ =	shalt  }
0x45: {  	_ =	shalt  }
0x46: {  	_ =	shalt  }
0x47: {  	_ =	shalt  }
0x48: {  	_ =	shalt  }
0x49: {  	_ =	shalt  }
0x4a: {  	_ =	shalt  }
0x4b: {  	_ =	shalt  }
0x4c: {  	_ =	shalt  }
0x4d: {  	_ =	shalt  }
0x4e: {  	_ =	shalt  }
0x4f: {  	_ =	shalt  }
0x50: {  	_ =	shalt  }
0x51: {  	_ =	shalt  }
0x52: {  	_ =	shalt  }
0x53: {  	_ =	shalt  }
0x54: {  	_ =	shalt  }
0x55: {  	_ =	shalt  }
0x56: {  	_ =	shalt  }
0x57: {  	_ =	shalt  }
0x58: {  	_ =	shalt  }
0x59: {  	_ =	shalt  }
0x5a: {  	_ =	shalt  }
0x5b: {  	_ =	shalt  }
0x5c: {  	_ =	shalt  }
0x5d: {  	_ =	shalt  }
0x5e: {  	_ =	shalt  }
0x5f: {  	_ =	shalt  }
0x60: {  	_ =	shalt  }
0x61: {  	_ =	shalt  }
0x62: {  	_ =	shalt  }
0x63: {  	_ =	shalt  }
0x64: {  	_ =	shalt  }
0x65: {  	_ =	shalt  }
0x66: {  	_ =	shalt  }
0x67: {  	_ =	shalt  }
0x68: {  	_ =	shalt  }
0x69: {  	_ =	shalt  }
0x6a: {  	_ =	shalt  }
0x6b: {  	_ =	shalt  }
0x6c: {  	_ =	shalt  }
0x6d: {  	_ =	shalt  }
0x6e: {  	_ =	shalt  }
0x6f: {  	_ =	shalt  }
0x70: {  	_ =	shalt  }
0x71: {  	_ =	shalt  }
0x72: {  	_ =	shalt  }
0x73: {  	_ =	shalt  }
0x74: {  	_ =	shalt  }
0x75: {  	_ =	shalt  }
0x76: {  	_ =	shalt  }
0x77: {  	_ =	shalt  }
0x78: {  	_ =	shalt  }
0x79: {  	_ =	shalt  }
0x7a: {  	_ =	shalt  }
0x7b: {  	_ =	shalt  }
0x7c: {  	_ =	shalt  }
0x7d: {  	_ =	shalt  }
0x7e: {  	_ =	shalt  }
0x7f: {  	_ =	shalt  }
0x80: {  	_ =	shalt  }
0x81: {  	_ =	shalt  }
0x82: {  	_ =	shalt  }
0x83: {  	_ =	shalt  }
0x84: {  	_ =	shalt  }
0x85: {  	_ =	shalt  }
0x86: {  	_ =	shalt  }
0x87: {  	_ =	shalt  }
.Lfunc_end0:
.L_simem_size_0:
called_computation.1_lowered:
.L_overlay_start_0:
0x88: {  	s2 =	sld [smem:$0x3FD9]  }
0x89: {  	s3 =	sld [smem:$0x3FFE];
	_ =	sdelay $0x1  }
0x8a: {  	s1 =	srdreg.scid  }
0x8b: {  	s0 =	sand.u32 $0x1, s1  }
0x8c: {  	s17 =	sshll.u32 s0, $0xA;
	s2 =	sadd.s32 s3, s2  }
0x8d: {  	s2 =	sadd.s32 s2, s17  }
0x8e: {  	[smem:$0x3FC6] =	sst s2  }
0x8f: {  	_ = 	snop  }
0x90: {  	s2 =	sld [smem:$0x3FD0];
	(tm) =	ssettm $0x1  }
0x91: {  	s18 =	sld [smem:$0x3FFB];
	_ =	sdelay $0x3  }
0x92: {  	_ =	strace s18  }
0x93: {  	s3 =	sld [smem:$0x3FFC];
	_ =	sdelay $0x3  }
0x94: {  	_ =	strace s3  }
0x95: {  	s3 =	sld [smem:$0x3FFD];
	_ =	sdelay $0x3  }
0x96: {  	_ =	strace s3  }
0x97: {  	_ =	strace $0x8FFFFFFF  }
0x98: {  	s19 =	sld [smem:$0x3FDB];
	_ =	sdelay $0x1  }
0x99: {  	s4 =	simm.s32 $_scs_section_size  }
0x9a: {  	s5 =	simm.s32 $_size__tile_overlayer_lowered;
	s6 =	simm.s32 $_tile_overlayer_lowered  }
0x9b: {  	s22 =	simm.s32 $0x1BFF;
	s21 =	sshll.u32 s6, $0x1;
	s3 =	sadd.s32 s4, s19  }
0x9c: {  	s7 =	simm.s32 $0x0;
	s20 =	sshll.u32 s5, $0x1;
	s5 =	sadd.s32 s21, s3  }
0x9d: {  	[timem:s7], [sflag:s22] =	dma.local [hbm:s5], s20  }
0x9e: {  	_ =	swait.ge [sflag:s22], s20  }
0x9f: {  	s4 =	ssub.s32 $0x0, s20;
	[sflag:s22] =	ssyncset.done $0x0  }
0xa0: {  	[sflag:s22] =	ssyncadd.s32 s4;
	_ =	sdelay $0x1  }
0xa1: {  	s23 =	simm.s32 $0x1B8B  }
0xa2: {  	_ =	swait.ge [sflag:s23], $0x1  }
0xa3: {  	[sflag:s23] =	ssyncset.done $0x0  }
0xa4: {  	s25 =	simm.s32 $0x1B8E;
	s24 =	sld [smem:$0x3FFE];
	[sflag:s23] =	ssyncadd.s32 $0xFFFFFFFF  }
0xa5: {  	s26 =	simm.s32 $execute0_lowered;
	[smem:$0x3FD2] =	sst s25  }
0xa6: {  	s5 =	sshll.u32 s26, $0x1;
	_ =	strace $0x80000046;
	[dreg:$0x1] =	wrdreg $0xFFFFFFFF  }
0xa7: {  	s28 =	simm.s32 $_size_execute0_lowered;
	s3 =	sadd.s32 s3, s5;
	[dreg:$0x0] =	wrdreg $0x0  }
0xa8: {  	s5 =	sshll.u32 s28, $0x1;
	[dreg:$0x2] =	wrdreg s3  }
0xa9: {  	[dreg:$0x3] =	wrdreg s5  }
0xaa: {  	[dreg:$0x4] =	wrdreg $0xC0  }
0xab: {  	_ =	task [dreg:s7], $0x5FFFF  }
0xac: {  	[dreg:$0x1] =	wrdreg $0xFFFFFFFF  }
0xad: {  	[dreg:$0x0] =	wrdreg $0x60  }
0xae: {  	[dreg:$0x2] =	wrdreg s2  }
0xaf: {  	[dreg:$0x3] =	wrdreg s24  }
0xb0: {  	[dreg:$0x4] =	wrdreg $0x9  }
0xb1: {  	_ =	task.clear_ibuf [dreg:s7], $0x5FFFF;
	_ =	strace $0x90000046  }
0xb2: {  	s29 =	simm.s32 $0x9;
	_ =	strace $0x80000048  }
0xb3: {  	_ =	swait.ge [sflag:s29], $0x1  }
0xb4: {  	[sflag:s29] =	ssyncadd.s32 $0xFFFFFFFF  }
0xb5: {  	_ =	strace $0x90000048  }
0xb6: {  	_ =	sfence  }
0xb7: {  	s30 =	sld [smem:$0x0];
	_ =	sdelay $0x2  }
0xb8: {  	s31 =	sshll.u32 s1, $0xD;
	s1 =	sshrl.u32 s1, $0x2  }
0xb9: {  	s3 =	sand.u32 $0x4000, s31;
	s1 =	sadd.s32 s1, s30  }
0xba: {  	s0 =	sor.u32 s3, s0;
	s1 =	sshll.u32 s1, $0x11  }
0xbb: {  	s0 =	sor.u32 s1, s0  }
0xbc: {  	s0 =	sadd.s32 $0x8F2B, s0  }
0xbd: {  	[sflag:s0] =	ssyncadd.remote.s32 $0x1  }
0xbe: {  	_ =	sfence.sel $0xFFFF  }
0xbf: {  	[dreg:$0x0] =	wrdreg $0xFFFFFFFF;
	(pc) =	sbr.abs _section_cstart, $3  }
0xc0: {  	[dreg:$0x1] =	wrdreg $0xFFFFFFFF  }
0xc1: {  	_ =	task.clear_ibuf [dreg:s7], $0x2FFFF;
	_ =	strace $0x9FFFFFFF  }
0xc2: {  	(tm) =	ssettm $0x7FFFFFFF  }
0xc3: {  	_ =	shalt  }
tec
execute0_lowered:
.L_overlay_start_1:
0x0: {  	(tag) =	ssettag $0x1  }
0x1: {  	s0 =	srdreg.scid;
	s1 =	rddreg [dreg:$0x0]  }
0x2: {  	s10 =	stileid.u32;
	s4 =	rddreg [dreg:$0x1]  }
0x3: {  	s11 =	simm.s32 $0xB;
	s12 =	simm.s32 $0x80;
	s13 =	simm.s32 $0x6400  }
0x4: {  	s14 =	simm.s32 $0xA400;
	s16 =	simm.s32 $0xE400;
	s17 =	simm.s32 $0x1  }
0x5: {  	s28 =	simm.s32 $0x9;
	s29 =	simm.s32 $0xA;
	s7 =	smul.u32 $0x640000, s10  }
0x6: {  	s0 =	sand.u32 $0x1, s0;
	s2 =	sshll.u32 s10, $0x1;
	s18 =	smul.u32 $0xC8000, s10  }
0x7: {  	s30 =	simm.s32 $0x0;
	s3 =	sor.u32 s0, s2;
	s9 =	smul.u32 $0x320000, s0  }
0x8: {  	s2 =	simm.s32 $0x0;
	s6 =	ssub.s32 $0x2, s0;
	s0 =	smul.u32 $0x64000, s0  }
0x9: {  	s5 =	smul.u32 $0x6400, s3;
	[smem:$0x7FF] =	sst s2;
	s3 =	sadd.s32 $0xF42E00, s4  }
0xa: {  	s8 =	sshrl.u32 s6, $0x1;
	s4 =	sadd.s32 $0xA00, s4;
	_ =	strace $0x80000047  }
0xb: {  	s6 =	ssub.s32 s6, s8;
	s7 =	sadd.s32 s9, s7;
	s21 =	sadd.s32 s18, s4  }
0xc: {  	s18 =	simm.s32 $0x12400;
	s5 =	sshrl.u32 s5, $0x3;
	s19 =	sor.u32 $0x10000, s7  }
0xd: {  	s20 =	smax.u32 s6, $0x1;
	s0 =	sadd.s32 s0, s21;
	s23 =	sor.u32 $0xC000, s7  }
0xe: {  	s24 =	sor.u32 $0x8000, s7;
	s25 =	sor.u32 $0x4000, s7;
	[dreg:$0x4] =	wrdreg s20  }
0xf: {  	s21 =	simm.s32 $0x3;
	s1 =	sadd.s32 s1, s5;
	[dreg:$0x5] =	wrdreg s0  }
0x10: {  	s0 =	sshrl.u32 s23, $0x3;
	s5 =	sshrl.u32 s25, $0x3;
	s20 =	simm.s32 $0x16400  }
0x11: {  	s23 =	simm.s32 $0x4;
	s25 =	simm.s32 $0x5;
	[dreg:$0x3] =	wrdreg s1  }
.Ltmp0:
0x12: {  	s1 =	sshrl.u32 s19, $0x3;
	s0 =	sadd.s32 s0, s4;
	(pc) =	sbr.rel .LBB2_1-.Ltmp0, $4  }
0x13: {  	s31 =	sadd.s32 s5, s4;
	s19 =	simm.s32 $0x2;
	[dreg:$0x7] =	wrdreg s0  }
0x14: {  	s22 =	sadd.s32 s1, s4;
	s1 =	sshrl.u32 s24, $0x3;
	[dreg:$0x9] =	wrdreg s31  }
0x15: {  	s24 =	simm.s32 $0x7;
	[dreg:$0x6] =	wrdreg s22;
	s26 =	sadd.s32 s1, s4  }
0x16: {  	s22 =	simm.s32 $0x6;
	[dreg:$0x8] =	wrdreg s26;
	s26 =	simm.s32 $0x8  }
.LBB2_4:
0x17: {  	_ =	swait.ge [sflag:s28], $0x4000  }
0x18: {  	[sflag:s28] =	ssyncset.done $0x0  }
0x19: {  	[sflag:s28] =	ssyncadd.s32 $0xFFFFC000  }
0x1a: {  	_ =	swait.ge [sflag:s29], $0x4000  }
0x1b: {  	s30 =	sadd.s32 $0x1, s30;
	s0 =	rddreg [dreg:$0x4]  }
0x1c: {  	p0 =	sne.s32 s30, s0  }
.Ltmp1:
0x1d: {  	_ = 	snop;
	(pc) =	sbr.rel @!p0 .LBB2_5-.Ltmp1, $3  }
0x1e: {  	_ =	sdelay $0x1  }
0x1f: {  	[sflag:s29] =	ssyncset.done $0x0  }
0x20: {  	[sflag:s29] =	ssyncadd.s32 $0xFFFFC000  }
.LBB2_1:
0x21: {  	s0 =	rddreg [dreg:$0x3]  }
0x22: {  	[tilespmem:s2], [sflag:$0xB] =	stream.linear.gather [hbm4b:s0+s2], $0x6400, $0x38;
	[tilespmem:$0x1A400] =	vst v63  }
0x23: {  	_ =	swait.ge [sflag:s11], $0x6400  }
0x24: {  	s31 =	rddreg [dreg:$0x9]  }
0x25: {  	[sflag:s11] =	ssyncset.done $0x0;
	s9 =	rddreg [dreg:$0x8]  }
0x26: {  	s8 =	rddreg [dreg:$0x7];
	[sflag:s11] =	ssyncadd.s32 $0xFFFF9C00  }
0x27: {  	[tilespmem:s13], [sflag:$0x1] =	stream.indirect.gather [hbm4b:s3+s12], $0x80, s2, s12, $0xb8;
	[tilespmem:$0x1A400] =	vst v63  }
0x28: {  	s7 =	rddreg [dreg:$0x6]  }
0x29: {  	[tilespmem:s14], [sflag:$0x2] =	stream.indirect.gather [hbm4b:s3+s12], $0x80, s12, s12, $0xb8;
	[tilespmem:$0x1A400] =	vst v63  }
0x2a: {  	s15 =	simm.s32 $0x100;
	s5 =	simm.s32 $0x0;
	s6 =	rddreg [dreg:$0x5]  }
0x2b: {  	[tilespmem:s16], [sflag:$0x3] =	stream.indirect.gather [hbm4b:s3+s12], $0x80, s15, s12, $0xb8;
	[tilespmem:$0x1A400] =	vst v63  }
.LBB2_2:
0x2c: {  	_ =	swait.ge [sflag:s17], $0x4000  }
0x2d: {  	p0 =	seq.s32 s5, $0x0;
	[sflag:s17] =	ssyncset.done $0x0  }
0x2e: {  	s15 =	simm.s32 @!p0 $0x9;
	[sflag:s17] =	ssyncadd.s32 $0xFFFFC000  }
0x2f: {  	[hbm4b:s6+s2] =	stream.linear.scatter [tilespmem:s13], [sflag:$0x6], $0x4000, $0x38;
	[tilespmem:$0x1A400] =	vst v63  }
0x30: {  	_ =	swait.ge @!p0 [sflag:s15], $0x4000  }
0x31: {  	s4 =	sshra.s32 s5, $0x2;
	[sflag:s15] =	ssyncset.done @!p0 $0x0  }
0x32: {  	s1 =	sadd.s32 $0x180, s4;
	[sflag:s15] =	ssyncadd.s32 @!p0 $0xFFFFC000  }
0x33: {  	[tilespmem:s18], [sflag:$0x4] =	stream.indirect.gather [hbm4b:s3+s12], $0x80, s1, s12, $0xb8;
	[tilespmem:$0x1A400] =	vst v63  }
0x34: {  	_ =	swait.ge [sflag:s19], $0x4000  }
0x35: {  	[sflag:s19] =	ssyncset.done $0x0  }
0x36: {  	s15 =	simm.s32 @!p0 $0xA;
	[sflag:s19] =	ssyncadd.s32 $0xFFFFC000  }
0x37: {  	[hbm4b:s31+s2] =	stream.linear.scatter [tilespmem:s14], [sflag:$0x7], $0x4000, $0x38;
	[tilespmem:$0x1A400] =	vst v63  }
0x38: {  	_ =	swait.ge @!p0 [sflag:s15], $0x4000  }
0x39: {  	[sflag:s15] =	ssyncset.done @!p0 $0x0  }
0x3a: {  	s10 =	sadd.s32 $0x200, s4;
	[sflag:s15] =	ssyncadd.s32 @!p0 $0xFFFFC000  }
0x3b: {  	[tilespmem:s20], [sflag:$0x5] =	stream.indirect.gather [hbm4b:s3+s12], $0x80, s10, s12, $0xb8;
	[tilespmem:$0x1A400] =	vst v63  }
0x3c: {  	_ =	swait.ge [sflag:s21], $0x4000  }
0x3d: {  	[sflag:s21] =	ssyncset.done $0x0  }
0x3e: {  	[sflag:s21] =	ssyncadd.s32 $0xFFFFC000  }
0x3f: {  	[hbm4b:s9+s2] =	stream.linear.scatter [tilespmem:s16], [sflag:$0x8], $0x4000, $0x38;
	[tilespmem:$0x1A400] =	vst v63  }
0x40: {  	p0 =	seq.s32 s5, $0x18600;
	_ =	swait.ge [sflag:s22], $0x4000  }
0x41: {  	s15 =	sshra.s32 @!p0 s5, $0x2;
	s1 =	simm.s32 @!p0 $0x80;
	[sflag:s22] =	ssyncset.done $0x0  }
0x42: {  	s10 =	simm.s32 @!p0 $0x6400;
	s0 =	sadd.s32 @!p0 $0x280, s15;
	[sflag:s22] =	ssyncadd.s32 $0xFFFFC000  }
0x43: {  	[tilespmem:s10], [sflag:$0x1] =	stream.indirect.gather @!p0 [hbm4b:s3+s1], $0x80, s0, s1, $0xb8;
	[tilespmem:$0x1A400] =	vst v63  }
0x44: {  	_ =	swait.ge [sflag:s23], $0x4000  }
0x45: {  	[sflag:s23] =	ssyncset.done $0x0  }
0x46: {  	[sflag:s23] =	ssyncadd.s32 $0xFFFFC000  }
0x47: {  	[hbm4b:s8+s2] =	stream.linear.scatter [tilespmem:s18], [sflag:$0x9], $0x4000, $0x38;
	[tilespmem:$0x1A400] =	vst v63  }
0x48: {  	_ =	swait.ge [sflag:s24], $0x4000  }
0x49: {  	[sflag:s24] =	ssyncset.done $0x0  }
0x4a: {  	s0 =	sadd.s32 @!p0 $0x300, s15;
	s10 =	simm.s32 @!p0 $0xA400;
	[sflag:s24] =	ssyncadd.s32 $0xFFFFC000  }
0x4b: {  	[tilespmem:s10], [sflag:$0x2] =	stream.indirect.gather @!p0 [hbm4b:s3+s1], $0x80, s0, s1, $0xb8;
	[tilespmem:$0x1A400] =	vst v63  }
0x4c: {  	_ =	swait.ge [sflag:s25], $0x4000  }
0x4d: {  	[sflag:s25] =	ssyncset.done $0x0  }
.Ltmp2:
0x4e: {  	[sflag:s25] =	ssyncadd.s32 $0xFFFFC000;
	(pc) =	sbr.rel @p0 .LBB2_4-.Ltmp2, $4  }
0x4f: {  	[hbm4b:s7+s2] =	stream.linear.scatter [tilespmem:s20], [sflag:$0xA], $0x4000, $0x38;
	[tilespmem:$0x1A400] =	vst v63  }
0x50: {  	_ =	swait.ge [sflag:s26], $0x4000  }
0x51: {  	[sflag:s26] =	ssyncset.done $0x0  }
0x52: {  	[sflag:s26] =	ssyncadd.s32 $0xFFFFC000  }
.Ltmp3:
0x53: {  	(pc) =	sbr.rel .LBB2_2-.Ltmp3, $4  }
0x54: {  	s0 =	sadd.s32 $0x380, s4  }
0x55: {  	s5 =	sadd.s32 $0xA00, s5;
	s6 =	sadd.s32 $0x2800, s6;
	s7 =	sadd.s32 $0x2800, s7  }
0x56: {  	s8 =	sadd.s32 $0x2800, s8;
	s9 =	sadd.s32 $0x2800, s9;
	s31 =	sadd.s32 $0x2800, s31  }
0x57: {  	[tilespmem:s16], [sflag:$0x3] =	stream.indirect.gather [hbm4b:s3+s12], $0x80, s0, s12, $0xb8;
	[tilespmem:$0x1A400] =	vst v63  }
.LBB2_5:
0x58: {  	_ =	sfence.sel $0x180000  }
0x59: {  	[bflag:$0x0] =	sbarrier.arrive $0xFFFF  }
0x5a: {  	_ =	strace $0x90000047  }
0x5b: {  	s0 =	stileid.u32;
	[bflag:$0x2] =	sbarrier.arrive $0xFFFF  }
0x5c: {  	p0 =	sne.s32 s0, $0x0;
	s0 =	rddreg [dreg:$0x2]  }
0x5d: {  	s0 =	sadd.s32 @!p0 $0x100000, s0  }
0x5e: {  	[sflag:s0] =	ssyncadd.tile.s32 @!p0 $0x1;
	_ =	shalt  }
.Lfunc_end2:
_tile_overlayer_lowered:
.L_overlay_start_2:
0x5f: {  	(tag) =	ssettag $0x2  }
0x60: {  	s0 =	rddreg [dreg:$0x0];
	s2 =	stileid.u32  }
0x61: {  	s1 =	rddreg [dreg:$0x1];
	p0 =	sne.s32 s2, $0x0  }
0x62: {  	s3 =	rddreg [dreg:$0x2];
	[bflag:$0x3] =	sbarrier.arrive $0xFFFF;
	s2 =	simm.s32 @!p0 $0x1C0B  }
0x63: {  	[timem:s3], [sflag:s2] =	dma.local @!p0 [hbm:s0], s1  }
0x64: {  	s0 =	simm.s32 @!p0 $0xB  }
0x65: {  	_ =	swait.ge @!p0 [sflag:s0], s1  }
0x66: {  	s1 =	ssub.s32 @!p0 $0x0, s1;
	[sflag:s0] =	ssyncset.done @!p0 $0x0  }
0x67: {  	[sflag:s0] =	ssyncadd.s32 @!p0 s1  }
0x68: {  	[bflag:$0x3] =	sbarrier.arrive $0xFFFF  }
0x69: {  	_ =	shalt  }

// kernel: sparse-core-data-format-call.cloned.1.call-start
scs
called_computation_lowered:
.L_overlay_start_0:
0x0: {  	s2 =	sld [smem:$0x3FD9]  }
0x1: {  	s3 =	sld [smem:$0x3FFE];
	_ =	sdelay $0x1  }
0x2: {  	s1 =	srdreg.scid  }
0x3: {  	s0 =	sand.u32 $0x1, s1  }
0x4: {  	s18 =	sshll.u32 s0, $0xA;
	s2 =	sadd.s32 s3, s2  }
0x5: {  	s2 =	sadd.s32 s2, s18  }
0x6: {  	[smem:$0x3FC6] =	sst s2  }
0x7: {  	_ = 	snop  }
0x8: {  	s2 =	sld [smem:$0x3FD0];
	(tm) =	ssettm $0x1  }
0x9: {  	s19 =	sld [smem:$0x3FFB];
	_ =	sdelay $0x3  }
0xa: {  	_ =	strace s19  }
0xb: {  	s3 =	sld [smem:$0x3FFC];
	_ =	sdelay $0x3  }
0xc: {  	_ =	strace s3  }
0xd: {  	s3 =	sld [smem:$0x3FFD];
	_ =	sdelay $0x3  }
0xe: {  	_ =	strace s3  }
0xf: {  	_ =	strace $0x8FFFFFFF  }
0x10: {  	s20 =	sld [smem:$0x3FDB];
	_ =	sdelay $0x1  }
0x11: {  	s4 =	simm.s32 $_scs_section_size  }
0x12: {  	s5 =	simm.s32 $_size__tile_overlayer_lowered;
	s6 =	simm.s32 $_tile_overlayer_lowered  }
0x13: {  	s23 =	simm.s32 $0x1BFF;
	s22 =	sshll.u32 s6, $0x1;
	s3 =	sadd.s32 s4, s20  }
0x14: {  	s7 =	simm.s32 $0x0;
	s21 =	sshll.u32 s5, $0x1;
	s5 =	sadd.s32 s22, s3  }
0x15: {  	[timem:s7], [sflag:s23] =	dma.local [hbm:s5], s21  }
0x16: {  	_ =	swait.ge [sflag:s23], s21  }
0x17: {  	s4 =	ssub.s32 $0x0, s21;
	[sflag:s23] =	ssyncset.done $0x0  }
0x18: {  	[sflag:s23] =	ssyncadd.s32 s4;
	_ =	sdelay $0x1  }
0x19: {  	s24 =	simm.s32 $0x1B8B  }
0x1a: {  	_ =	swait.ge [sflag:s24], $0x1  }
0x1b: {  	[sflag:s24] =	ssyncset.done $0x0  }
0x1c: {  	s26 =	simm.s32 $0x1B8E;
	s25 =	sld [smem:$0x3FFE];
	[sflag:s24] =	ssyncadd.s32 $0xFFFFFFFF  }
0x1d: {  	s27 =	simm.s32 $execute0_lowered;
	[smem:$0x3FD2] =	sst s26  }
0x1e: {  	s5 =	sshll.u32 s27, $0x1;
	_ =	strace $0x80000049;
	[dreg:$0x1] =	wrdreg $0xFFFFFFFF  }
0x1f: {  	s28 =	simm.s32 $_size_execute0_lowered;
	s3 =	sadd.s32 s3, s5;
	[dreg:$0x0] =	wrdreg $0x0  }
0x20: {  	s5 =	sshll.u32 s28, $0x1;
	[dreg:$0x2] =	wrdreg s3  }
0x21: {  	[dreg:$0x3] =	wrdreg s5  }
0x22: {  	[dreg:$0x4] =	wrdreg $0xC0  }
0x23: {  	_ =	task [dreg:s7], $0x5FFFF  }
0x24: {  	[dreg:$0x1] =	wrdreg $0xFFFFFFFF  }
0x25: {  	[dreg:$0x0] =	wrdreg $0x60  }
0x26: {  	[dreg:$0x2] =	wrdreg s25  }
0x27: {  	[dreg:$0x3] =	wrdreg s2  }
0x28: {  	[dreg:$0x4] =	wrdreg $0x9  }
0x29: {  	_ =	task.clear_ibuf [dreg:s7], $0x5FFFF;
	_ =	strace $0x90000049  }
0x2a: {  	s29 =	simm.s32 $0x9;
	_ =	strace $0x8000004B  }
0x2b: {  	_ =	swait.ge [sflag:s29], $0x1  }
0x2c: {  	[sflag:s29] =	ssyncadd.s32 $0xFFFFFFFF  }
0x2d: {  	_ =	strace $0x9000004B  }
0x2e: {  	_ =	sfence  }
0x2f: {  	s30 =	sld [smem:$0x0];
	_ =	sdelay $0x2  }
0x30: {  	s31 =	sshll.u32 s1, $0xD;
	s1 =	sshrl.u32 s1, $0x2  }
0x31: {  	s3 =	sand.u32 $0x4000, s31;
	s1 =	sadd.s32 s1, s30  }
0x32: {  	s0 =	sor.u32 s3, s0;
	s1 =	sshll.u32 s1, $0x11  }
0x33: {  	s0 =	sor.u32 s1, s0  }
0x34: {  	s0 =	sadd.s32 $0x8F2B, s0  }
0x35: {  	[sflag:s0] =	ssyncadd.remote.s32 $0x1  }
0x36: {  	_ =	sfence.sel $0xFFFF  }
0x37: {  	[dreg:$0x0] =	wrdreg $0xFFFFFFFF;
	(pc) =	sbr.abs _section_cstart, $3  }
0x38: {  	[dreg:$0x1] =	wrdreg $0xFFFFFFFF  }
0x39: {  	_ =	task.clear_ibuf [dreg:s7], $0x2FFFF;
	_ =	strace $0x9FFFFFFF  }
0x3a: {  	(tm) =	ssettm $0x7FFFFFFF  }
0x3b: {  	_ =	shalt  }
tec
execute0_lowered:
.L_overlay_start_1:
0x0: {  	(tag) =	ssettag $0x1  }
0x1: {  	s0 =	srdreg.scid  }
0x2: {  	s1 =	sshll.u32 s0, $0x4  }
0x3: {  	s0 =	stileid.u32;
	s1 =	sand.u32 $0x10, s1  }
0x4: {  	s1 =	sor.u32 s0, s1  }
0x5: {  	s6 =	rddreg [dreg:$0x0];
	s4 =	simm.s32 $0x1;
	s2 =	sshll.u32 s1, $0x7  }
0x6: {  	s7 =	simm.s32 $0x2;
	s12 =	simm.s32 $0x0;
	s1 =	ssub.s32 $0x1000, s2  }
0x7: {  	s8 =	simm.s32 $0x8000;
	s13 =	simm.s32 $0x0;
	s3 =	sand.u32 $0xF80, s1  }
0x8: {  	s9 =	simm.s32 $0x0;
	s5 =	sshrl.u32 s1, $0xC;
	p0 =	sne.s32 s3, $0x0  }
.Ltmp0:
0x9: {  	s1 =	rddreg [dreg:$0x2];
	s4 =	simm.s32 @!p0 $0x0;
	(pc) =	sbr.rel .LBB1_1-.Ltmp0, $4  }
0xa: {  	s11 =	simm.s32 $0x0;
	s3 =	rddreg [dreg:$0x1];
	s5 =	sadd.s32 s4, s5  }
0xb: {  	_ =	strace $0x8000004A;
	s4 =	simm.s32 $0x1;
	s5 =	smul.u32 $0xC8, s5  }
0xc: {  	s6 =	sadd.s32 $0xA00, s6;
	s10 =	smov.u32 s2;
	[sflag:s4] =	ssyncpa.u1 $0x0  }
0xd: {  	p0 =	por $0x0, $0x0;
	[sflag:s7] =	ssyncpa.u1 $0x0;
	s7 =	sor.u32 $0x1, s5  }
.LBB1_4:
0xe: {  	s16 =	sshll.u32 s13, $0x3;
	s17 =	sand.u32 $0x78, s13  }
0xf: {  	s30 =	sand.u32 $0x7E00, s13;
	s12 =	sshll.u32 s12, $0xF;
	s16 =	sand.u32 $0xC00, s16  }
0x10: {  	[tilespmem:s15+$0x810 ss:$0x81] =	vst.msk $0xffff, v2;
	s31 =	sand.u32 $0x7, s13;
	s16 =	sor.u32 s17, s16;
	s17 =	sadd.s32 s3, s30  }
0x11: {  	[tilespmem:s15+$0x1020 ss:$0x81] =	vst.msk $0xffff, v0;
	s13 =	sshll.u32 s31, $0x12;
	s12 =	sadd.s32 s12, s17;
	s16 =	sshrl.u32 s16, $0x3  }
0x12: {  	[tilespmem:s15+$0x0 ss:$0x81] =	vst.msk $0xffff, v1;
	s13 =	sor.u32 $0x400, s13;
	s12 =	sadd.s32 s16, s12  }
0x13: {  	[hbm4b:s12+s13] =	stream.strided.scatter [tilespmem:s14], [sflag:$0x2], $0x2000, s8, s13, $0x20;
	[tilespmem:$0x8080] =	vst v63  }
.LBB1_5:
0x14: {  	s14 =	sadd.s32 $0x1, s9  }
0x15: {  	s12 =	sadd.s32 $0x1000, s10;
	s16 =	smov.u32 s10;
	p2 =	sgt.s32 s14, $0xC7  }
0x16: {  	s16 =	smov.u32 @p2 s12  }
0x17: {  	s14 =	simm.s32 @p2 $0x0;
	p2 =	sgt.s32 s16, $0xFFF  }
0x18: {  	s16 =	smov.u32 @p2 s2;
	p2 =	sne.s32 s11, s7  }
.Ltmp1:
0x19: {  	p1 =	slt.u32 s11, $0x2;
	(pc) =	sbr.rel @!p2 .LBB1_6-.Ltmp1, $4  }
0x1a: {  	s15 =	simm.s32 @!p1 $0x2  }
0x1b: {  	s13 =	smov.u32 s10;
	p0 =	por !p0, !p0;
	_ =	swait.ge @!p1 [sflag:s15], $0x2000  }
0x1c: {  	s12 =	smov.u32 s9;
	[sflag:s15] =	ssyncset.done @!p1 $0x0;
	s9 =	smov.u32 s14  }
0x1d: {  	s11 =	sadd.s32 $0x1, s11;
	[sflag:s15] =	ssyncadd.s32 @!p1 $0xFFFFE000;
	s10 =	smov.u32 s16  }
.LBB1_1:
0x1e: {  	p1 =	sge.u32 s11, s5  }
0x1f: {  	s14 =	sand.u32 @!p1 $0x1FFFFFF, s9  }
0x20: {  	s15 =	smulhi.u32 @!p1 $0x147AE15, s14;
	_ =	sdelay $0x1  }
0x21: {  	s15 =	smul.u32 @!p1 $0xC8, s15  }
0x22: {  	s16 =	sxor.u32 @!p1 $0xFFFFFFFF, s11;
	s17 =	smul.u32 @!p1 $0xC80, s10  }
0x23: {  	s31 =	sadd.s32 $0xFFFFFFFF, s11;
	s16 =	sshll.u32 @!p1 s16, $0xD;
	s14 =	ssub.s32 @!p1 s14, s15  }
0x24: {  	s15 =	sand.u32 @!p1 $0x2000, s16;
	s16 =	sadd.s32 @!p1 s6, s17;
	s14 =	sshll.u32 @!p1 s14, $0x4  }
0x25: {  	s17 =	simm.s32 @!p1 $0x6400;
	s14 =	sadd.s32 @!p1 s14, s16;
	s16 =	simm.s32 @!p1 $0x40  }
0x26: {  	[tilespmem:s15], [sflag:$0x1] =	stream.strided.gather @!p1 [hbm4b:s14+s16], $0x2000, s17, s16, $0x38;
	[tilespmem:$0x8080] =	vst v63  }
0x27: {  	p1 =	sge.u32 s31, s5  }
.Ltmp2:
0x28: {  	_ = 	snop;
	(pc) =	sbr.rel @p1 .LBB1_5-.Ltmp2, $1  }
0x29: {  	_ =	sdelay $0x3  }
0x2a: {  	s14 =	simm.s32 $0x1  }
0x2b: {  	_ =	swait.ge [sflag:s4], $0x2000;
	s14 =	simm.s32 @!p0 $0x0  }
0x2c: {  	[sflag:s4] =	ssyncset.done $0x0;
	s15 =	sshll.u32 s14, $0xD  }
0x2d: {  	[sflag:s4] =	ssyncadd.s32 $0xFFFFE000;
	s18 =	sor.u32 $0x20, s15  }
0x2e: {  	s14 =	smul.u32 $0x8100, s14;
	v3 =	vld [tilespmem:s18+$0x10]  }
0x2f: {  	s30 =	sand.u32 $0x1, s11;
	v2 =	vld [tilespmem:s18+$0xFFFFFFF0]  }
0x30: {  	s15 =	smul.u32 $0x8100, s30;
	s14 =	sshrl.u32 s14, $0x2;
	v0 =	vld [tilespmem:s18+$0x0]  }
0x31: {  	v1 =	vld [tilespmem:s18+$0xFFFFFFE0];
	s16 =	sor.u32 $0x4000, s14  }
0x32: {  	s31 =	sshrl.u32 s15, $0x2;
	s15 =	sadd.s32 $0x0, s16  }
0x33: {  	s17 =	simm.s32 $0x4;
	s18 =	sadd.s32 $0x40, s18;
	s14 =	sor.u32 $0x4000, s31;
	[tilespmem:s15+$0x1830 ss:$0x81] =	vst.msk $0xffff, v3  }
.LBB1_3:
0x34: {  	v3 =	vld [tilespmem:s18+$0x10];
	p1 =	sne.s32 s17, $0x1FC;
	[tilespmem:s15+$0x810 ss:$0x81] =	vst.msk $0xffff, v2;
	s19 =	smov.u32 s17;
	s17 =	sadd.s32 $0x4, s17  }
.Ltmp3:
0x35: {  	v2 =	vld [tilespmem:s18+$0xFFFFFFF0];
	[tilespmem:s15+$0x1020 ss:$0x81] =	vst.msk $0xffff, v0;
	(pc) =	sbr.rel @p1 .LBB1_3-.Ltmp3, $4  }
0x36: {  	v0 =	vld [tilespmem:s18+$0x0];
	[tilespmem:s15+$0x0 ss:$0x81] =	vst.msk $0xffff, v1  }
0x37: {  	s15 =	sshra.s32 s19, $0x2;
	v1 =	vld [tilespmem:s18+$0xFFFFFFE0]  }
0x38: {  	s15 =	sadd.s32 s15, s16  }
0x39: {  	s18 =	sadd.s32 $0x40, s18;
	[tilespmem:s15+$0x1830 ss:$0x81] =	vst.msk $0xffff, v3  }
.Ltmp4:
0x3a: {  	_ = 	snop;
	(pc) =	sbr.rel .LBB1_4-.Ltmp4, $1  }
0x3b: {  	_ =	sdelay $0x3  }
.LBB1_6:
0x3c: {  	_ =	sfence.sel $0x180000  }
0x3d: {  	s2 =	simm.s32 $0x1;
	[bflag:$0x0] =	sbarrier.arrive $0xFFFF  }
0x3e: {  	s31 =	simm.s32 $0x2;
	[sflag:s2] =	ssyncpa.u1 $0x1  }
0x3f: {  	[sflag:s31] =	ssyncpa.u1 $0x1  }
0x40: {  	p0 =	sne.s32 s0, $0x0;
	_ =	strace $0x9000004A  }
0x41: {  	s0 =	sadd.s32 @!p0 $0x100000, s1;
	[bflag:$0x2] =	sbarrier.arrive $0xFFFF  }
0x42: {  	[sflag:s0] =	ssyncadd.tile.s32 @!p0 $0x1;
	_ =	shalt  }
.Lfunc_end1:
_tile_overlayer_lowered:
.L_overlay_start_2:
0x43: {  	(tag) =	ssettag $0x2  }
0x44: {  	s0 =	rddreg [dreg:$0x0];
	s2 =	stileid.u32  }
0x45: {  	s1 =	rddreg [dreg:$0x1];
	p0 =	sne.s32 s2, $0x0  }
0x46: {  	s3 =	rddreg [dreg:$0x2];
	[bflag:$0x3] =	sbarrier.arrive $0xFFFF;
	s2 =	simm.s32 @!p0 $0x1C01  }
0x47: {  	[timem:s3], [sflag:s2] =	dma.local @!p0 [hbm:s0], s1  }
0x48: {  	s0 =	simm.s32 @!p0 $0x1  }
0x49: {  	_ =	swait.ge @!p0 [sflag:s0], s1  }
0x4a: {  	s1 =	ssub.s32 @!p0 $0x0, s1;
	[sflag:s0] =	ssyncset.done @!p0 $0x0  }
0x4b: {  	[sflag:s0] =	ssyncadd.s32 @!p0 s1  }
0x4c: {  	[bflag:$0x3] =	sbarrier.arrive $0xFFFF  }
0x4d: {  	_ =	shalt  }

</sc_bundles>
